<compile_context>
chip_gen: v7x
topology: tpu7x:2x2x1
jax: 0.10.2.dev20260603
libtpu: 0.0.44.dev20260713+nightly
codegen_flags: <defaults>
</compile_context>

<pallas_src>
import functools

import jax
import jax.numpy as jnp
from jax import lax
from jax.experimental import pallas as pl
from jax.experimental.pallas import tpu as pltpu
from jax.experimental.pallas import tpu_sc as plsc

NUM_COLORS = 100000
EMBED_DIM = 128
BATCH = 4096
HIST = 200

_INFO = plsc.get_sparse_core_info()
_NW = _INFO.num_cores * _INFO.num_subcores

_B = BATCH * HIST
_B_PER_W = _B // _NW
_CHUNK = 128
_N_CHUNKS = _B_PER_W // _CHUNK
_NBUF = 4
_WLAG = 2
_N_BLOCKS = _N_CHUNKS // _NBUF


def _make_kernel():
  mesh = plsc.VectorSubcoreMesh(core_axis_name="c", subcore_axis_name="s")

  @functools.partial(
      pl.kernel,
      out_type=jax.ShapeDtypeStruct((_B, EMBED_DIM), jnp.float32),
      mesh=mesh,
      scratch_types=[
          pltpu.VMEM((_N_CHUNKS, _CHUNK), jnp.int32),
          pltpu.VMEM((_NBUF, _CHUNK, EMBED_DIM), jnp.float32),
      ]
      + [pltpu.SemaphoreType.DMA] * (2 * _NBUF),
  )
  def gather_kernel(table_hbm, idx_hbm, out_hbm, idx_v, rows_v, *sems):
    gsem = sems[:_NBUF]
    osem = sems[_NBUF:]
    wid = lax.axis_index("s") * _INFO.num_cores + lax.axis_index("c")
    base = wid * _B_PER_W

    pltpu.sync_copy(idx_hbm.at[wid], idx_v)

    def fire_gather(j, b):
      pltpu.async_copy(table_hbm.at[idx_v.at[j]], rows_v.at[b], gsem[b])

    def wait_gather(j, b):
      pltpu.make_async_copy(table_hbm.at[idx_v.at[j]], rows_v.at[b],
                            gsem[b]).wait()

    def fire_write(j, b):
      pltpu.async_copy(rows_v.at[b],
                       out_hbm.at[pl.ds(base + j * _CHUNK, _CHUNK)], osem[b])

    def wait_write(j, b):
      pltpu.make_async_copy(rows_v.at[b],
                            out_hbm.at[pl.ds(base + j * _CHUNK, _CHUNK)],
                            osem[b]).wait()

    @pl.loop(0, _N_BLOCKS)
    def block_loop(k):
      j0 = k * _NBUF
      for b in range(_NBUF):
        j = j0 + b

        @pl.when(k > 0)
        def _():
          wait_write(j - _NBUF, b)
        fire_gather(j, b)

        jw = j - _WLAG
        bw = (b - _WLAG) % _NBUF

        @pl.when(jw >= 0)
        def _():
          wait_gather(jw, bw)
          fire_write(jw, bw)

    for d in range(_WLAG):
      jw = _N_CHUNKS - _WLAG + d
      bw = jw % _NBUF
      wait_gather(jw, bw)
      fire_write(jw, bw)
    for b in range(_NBUF):
      wait_write(_N_CHUNKS - _NBUF + b, b)

  return gather_kernel


_GATHER = _make_kernel()


@jax.jit
def kernel(color_indices, embedding_table):
  idx = color_indices.astype(jnp.int32).reshape(_NW, _N_CHUNKS, _CHUNK)
  out = _GATHER(embedding_table, idx)
  return out.reshape(BATCH, HIST, EMBED_DIM)

# --- scband reference (transcript-rebuilt; emitter-appended) ---
"""Pipeline reference for scband-color-embedding-50483045597774 (READ-ONLY COPY).

The authoritative reference and input builder live on the scoring server;
editing this copy changes nothing except your own understanding.
"""

import jax, jax.numpy as jnp
import numpy as np

NUM_COLORS = 100000
EMBED_DIM = 128
BATCH = 4096
HIST = 200

def setup_inputs(seed: int = 0) -> dict:
    key = jax.random.key(seed)
    k_idx, k_tbl = jax.random.split(key)
    color_indices = jax.random.randint(k_idx, (BATCH, HIST), 0, NUM_COLORS, dtype=jnp.int64 if jax.config.jax_enable_x64 else jnp.int32)
    embedding_table = jax.random.normal(k_tbl, (NUM_COLORS, EMBED_DIM), dtype=jnp.float32)
    return {"color_indices": color_indices, "embedding_table": embedding_table}

def reference(color_indices, embedding_table):
    # nn.Embedding forward: gather rows of the table by index
    embeddings = jnp.take(embedding_table, color_indices, axis=0)
    return embeddings

if __name__ == "__main__":
    import jax
    _d = setup_inputs()
    print(jax.jit(kernel)(*tuple(_d.values())))

</pallas_src>

<mosaic_0001>
#map = affine_map<(d0, d1) -> (0, 0)>
#map1 = affine_map<(d0, d1) -> (0, 0, 0)>
module attributes {stable_mosaic.version = 14 : i64} {
  func.func @gather_kernel(%arg0: i32, %arg1: i32, %arg2: memref<100000x128xf32, #tpu.memory_space<hbm>>, %arg3: memref<32x200x128xi32, #tpu.memory_space<hbm>>, %arg4: memref<819200x128xf32, #tpu.memory_space<hbm>>, %arg5: memref<200x128xi32, #tpu.memory_space<vmem>>, %arg6: memref<4x128x128xf32, #tpu.memory_space<vmem>>, %arg7: memref<!tpu.dma_semaphore, #tpu.memory_space<semaphore_mem>>, %arg8: memref<!tpu.dma_semaphore, #tpu.memory_space<semaphore_mem>>, %arg9: memref<!tpu.dma_semaphore, #tpu.memory_space<semaphore_mem>>, %arg10: memref<!tpu.dma_semaphore, #tpu.memory_space<semaphore_mem>>, %arg11: memref<!tpu.dma_semaphore, #tpu.memory_space<semaphore_mem>>, %arg12: memref<!tpu.dma_semaphore, #tpu.memory_space<semaphore_mem>>, %arg13: memref<!tpu.dma_semaphore, #tpu.memory_space<semaphore_mem>>, %arg14: memref<!tpu.dma_semaphore, #tpu.memory_space<semaphore_mem>>) attributes {dimension_semantics = [#tpu.dimension_semantics<core_parallel>, #tpu.dimension_semantics<subcore_parallel>], iteration_bounds = array<i64: 2, 16>, scalar_prefetch = 0 : i64, scratch_operands = 10 : i64, tpu.core_type = #tpu.core_type<sc_vector_subcore>, window_params = [{transform_indices = #map}, {transform_indices = #map1}, {transform_indices = #map}]} {
    %mul3A = arith.constant 2 : i32
    %mul3A_0 = arith.muli %arg1, %mul3A : i32
    %add3A = arith.addi %mul3A_0, %arg0 : i32
    %mul3A_1 = arith.constant 25600 : i32
    %mul3A_2 = arith.muli %add3A, %mul3A_1 : i32
    "tpu.region"() ({
      %run_scoped3A = tpu.sem_alloc : memref<!tpu.dma_semaphore, #tpu.memory_space<semaphore_mem>>
      %dma_start3A_119 = arith.constant 0 : i32
      %dma_start3A_120 = arith.constant 0 : i32
      %dma_start3A_121 = tpu.memref_slice %arg3[%add3A, %dma_start3A_119, %dma_start3A_120] : memref<32x200x128xi32, #tpu.memory_space<hbm>> -> memref<1x200x128xi32, #tpu.memory_space<hbm>>
      %dma_start3A_122 = tpu.memref_squeeze %dma_start3A_121 : memref<1x200x128xi32, #tpu.memory_space<hbm>> -> memref<200x128xi32, #tpu.memory_space<hbm>>
      %dma_start3A_123 = arith.constant 0 : i32
      %dma_start3A_124 = arith.constant 0 : i32
      %dma_start3A_125 = tpu.memref_slice %arg3[%add3A, %dma_start3A_123, %dma_start3A_124] : memref<32x200x128xi32, #tpu.memory_space<hbm>> -> memref<1x200x128xi32, #tpu.memory_space<hbm>>
      %dma_start3A_126 = tpu.memref_squeeze %dma_start3A_125 : memref<1x200x128xi32, #tpu.memory_space<hbm>> -> memref<200x128xi32, #tpu.memory_space<hbm>>
      tpu.enqueue_dma source(%dma_start3A_126 : memref<200x128xi32, #tpu.memory_space<hbm>>) target(%arg5 : memref<200x128xi32, #tpu.memory_space<vmem>>) target_semaphore(%run_scoped3A : memref<!tpu.dma_semaphore, #tpu.memory_space<semaphore_mem>>)
      %dma_wait3A_127 = arith.constant 0 : i32
      %dma_wait3A_128 = arith.constant 0 : i32
      %dma_wait3A_129 = tpu.memref_slice %arg3[%add3A, %dma_wait3A_127, %dma_wait3A_128] : memref<32x200x128xi32, #tpu.memory_space<hbm>> -> memref<1x200x128xi32, #tpu.memory_space<hbm>>
      %dma_wait3A_130 = tpu.memref_squeeze %dma_wait3A_129 : memref<1x200x128xi32, #tpu.memory_space<hbm>> -> memref<200x128xi32, #tpu.memory_space<hbm>>
      %dma_wait3A_131 = arith.constant 0 : i32
      %dma_wait3A_132 = arith.constant 0 : i32
      %dma_wait3A_133 = tpu.memref_slice %arg3[%add3A, %dma_wait3A_131, %dma_wait3A_132] : memref<32x200x128xi32, #tpu.memory_space<hbm>> -> memref<1x200x128xi32, #tpu.memory_space<hbm>>
      %dma_wait3A_134 = tpu.memref_squeeze %dma_wait3A_133 : memref<1x200x128xi32, #tpu.memory_space<hbm>> -> memref<200x128xi32, #tpu.memory_space<hbm>>
      tpu.wait_dma2 semaphore(%run_scoped3A : memref<!tpu.dma_semaphore, #tpu.memory_space<semaphore_mem>>) src(%dma_wait3A_134 : memref<200x128xi32, #tpu.memory_space<hbm>>) dst(%arg5 : memref<200x128xi32, #tpu.memory_space<vmem>>)
      tpu.yield
    }) : () -> ()
    %scan3A = arith.constant 0 : i32
    %scan3A_3 = arith.constant 50 : i32
    %scan3A_4 = arith.addi %scan3A, %scan3A_3 : i32
    %scan3A_5 = arith.constant 1 : i32
    scf.for %scan3A_119 = %scan3A to %scan3A_4 step %scan3A_5  : i32 {
      %mul3A_120 = arith.constant 1 : i32
      %mul3A_121 = arith.muli %scan3A_119, %mul3A_120 : i32
      %add3A_122 = arith.constant 0 : i32
      %add3A_123 = arith.addi %add3A_122, %mul3A_121 : i32
      %mul3A_124 = arith.constant 4 : i32
      %mul3A_125 = arith.muli %add3A_123, %mul3A_124 : i32
      %add3A_126 = arith.constant 0 : i32
      %add3A_127 = arith.addi %mul3A_125, %add3A_126 : i32
      %gt3A = arith.constant 0 : i32
      %gt3A_128 = arith.cmpi sgt, %add3A_123, %gt3A : i32
      %convert_element_type3A = arith.extui %gt3A_128 : i1 to i32
      %cond3A = arith.constant 0 : i32
      %cond3A_129 = arith.cmpi ne, %convert_element_type3A, %cond3A : i32
      scf.if %cond3A_129 {
        %sub3A_221 = arith.constant 4 : i32
        %sub3A_222 = arith.subi %add3A_127, %sub3A_221 : i32
        %mul3A_223 = arith.constant 128 : i32
        %mul3A_224 = arith.muli %sub3A_222, %mul3A_223 : i32
        %add3A_225 = arith.addi %mul3A_2, %mul3A_224 : i32
        %dma_wait3A_226 = arith.constant 0 : i32
        %dma_wait3A_227 = arith.constant 0 : i32
        %dma_wait3A_228 = arith.constant 0 : i32
        %dma_wait3A_229 = tpu.memref_slice %arg6[%dma_wait3A_226, %dma_wait3A_227, %dma_wait3A_228] : memref<4x128x128xf32, #tpu.memory_space<vmem>> -> memref<1x128x128xf32, #tpu.memory_space<vmem>>
        %dma_wait3A_230 = tpu.memref_squeeze %dma_wait3A_229 : memref<1x128x128xf32, #tpu.memory_space<vmem>> -> memref<128x128xf32, #tpu.memory_space<vmem>>
        %dma_wait3A_231 = arith.constant 0 : i32
        %dma_wait3A_232 = tpu.memref_slice %arg4[%add3A_225, %dma_wait3A_231] : memref<819200x128xf32, #tpu.memory_space<hbm>> -> memref<128x128xf32, #tpu.memory_space<hbm>>
        %dma_wait3A_233 = arith.constant 0 : i32
        %dma_wait3A_234 = tpu.memref_slice %arg4[%add3A_225, %dma_wait3A_233] : memref<819200x128xf32, #tpu.memory_space<hbm>> -> memref<128x128xf32, #tpu.memory_space<hbm>>
        %dma_wait3A_235 = arith.constant 0 : i32
        %dma_wait3A_236 = arith.constant 0 : i32
        %dma_wait3A_237 = tpu.memref_slice %arg6[%dma_wait3A_226, %dma_wait3A_235, %dma_wait3A_236] : memref<4x128x128xf32, #tpu.memory_space<vmem>> -> memref<1x128x128xf32, #tpu.memory_space<vmem>>
        %dma_wait3A_238 = tpu.memref_squeeze %dma_wait3A_237 : memref<1x128x128xf32, #tpu.memory_space<vmem>> -> memref<128x128xf32, #tpu.memory_space<vmem>>
        tpu.wait_dma2 semaphore(%arg11 : memref<!tpu.dma_semaphore, #tpu.memory_space<semaphore_mem>>) src(%dma_wait3A_238 : memref<128x128xf32, #tpu.memory_space<vmem>>) dst(%dma_wait3A_234 : memref<128x128xf32, #tpu.memory_space<hbm>>)
      } else {
      }
      %dma_start3A_130 = arith.constant 0 : i32
      %dma_start3A_131 = arith.constant 0 : i32
      %dma_start3A_132 = arith.constant 0 : i32
      %dma_start3A_133 = tpu.memref_slice %arg6[%dma_start3A_130, %dma_start3A_131, %dma_start3A_132] : memref<4x128x128xf32, #tpu.memory_space<vmem>> -> memref<1x128x128xf32, #tpu.memory_space<vmem>>
      %dma_start3A_134 = tpu.memref_squeeze %dma_start3A_133 : memref<1x128x128xf32, #tpu.memory_space<vmem>> -> memref<128x128xf32, #tpu.memory_space<vmem>>
      %dma_start3A_135 = arith.constant 0 : i32
      %dma_start3A_136 = tpu.memref_slice %arg5[%add3A_127, %dma_start3A_135] : memref<200x128xi32, #tpu.memory_space<vmem>> -> memref<1x128xi32, #tpu.memory_space<vmem>>
      %dma_start3A_137 = tpu.memref_squeeze %dma_start3A_136 : memref<1x128xi32, #tpu.memory_space<vmem>> -> memref<128xi32, #tpu.memory_space<vmem>>
      %dma_start3A_138 = arith.constant 0 : i32
      %dma_start3A_139 = arith.constant 0 : i32
      %dma_start3A_140 = tpu.memref_slice %arg2[%dma_start3A_138, %dma_start3A_139] : memref<100000x128xf32, #tpu.memory_space<hbm>> -> memref<100000x128xf32, #tpu.memory_space<hbm>>
      tpu.enqueue_indirect_dma source(%dma_start3A_140 : memref<100000x128xf32, #tpu.memory_space<hbm>>) target(%dma_start3A_134 : memref<128x128xf32, #tpu.memory_space<vmem>>) offsets(%dma_start3A_137 : memref<128xi32, #tpu.memory_space<vmem>>) semaphore(%arg7 : memref<!tpu.dma_semaphore, #tpu.memory_space<semaphore_mem>>)
      %sub3A = arith.constant 2 : i32
      %sub3A_141 = arith.subi %add3A_127, %sub3A : i32
      %ge3A = arith.constant 0 : i32
      %ge3A_142 = arith.cmpi sge, %sub3A_141, %ge3A : i32
      %convert_element_type3A_143 = arith.extui %ge3A_142 : i1 to i32
      %cond3A_144 = arith.constant 0 : i32
      %cond3A_145 = arith.cmpi ne, %convert_element_type3A_143, %cond3A_144 : i32
      scf.if %cond3A_145 {
        %dma_wait3A_221 = arith.constant 2 : i32
        %dma_wait3A_222 = arith.constant 0 : i32
        %dma_wait3A_223 = arith.constant 0 : i32
        %dma_wait3A_224 = tpu.memref_slice %arg6[%dma_wait3A_221, %dma_wait3A_222, %dma_wait3A_223] : memref<4x128x128xf32, #tpu.memory_space<vmem>> -> memref<1x128x128xf32, #tpu.memory_space<vmem>>
        %dma_wait3A_225 = tpu.memref_squeeze %dma_wait3A_224 : memref<1x128x128xf32, #tpu.memory_space<vmem>> -> memref<128x128xf32, #tpu.memory_space<vmem>>
        %dma_wait3A_226 = arith.constant 0 : i32
        %dma_wait3A_227 = tpu.memref_slice %arg5[%sub3A_141, %dma_wait3A_226] : memref<200x128xi32, #tpu.memory_space<vmem>> -> memref<1x128xi32, #tpu.memory_space<vmem>>
        %dma_wait3A_228 = tpu.memref_squeeze %dma_wait3A_227 : memref<1x128xi32, #tpu.memory_space<vmem>> -> memref<128xi32, #tpu.memory_space<vmem>>
        %dma_wait3A_229 = arith.constant 0 : i32
        %dma_wait3A_230 = arith.constant 0 : i32
        %dma_wait3A_231 = tpu.memref_slice %arg2[%dma_wait3A_229, %dma_wait3A_230] : memref<100000x128xf32, #tpu.memory_space<hbm>> -> memref<100000x128xf32, #tpu.memory_space<hbm>>
        tpu.wait_indirect_dma semaphore(%arg9 : memref<!tpu.dma_semaphore, #tpu.memory_space<semaphore_mem>>) src(%dma_wait3A_231 : memref<100000x128xf32, #tpu.memory_space<hbm>>) dst(%dma_wait3A_225 : memref<128x128xf32, #tpu.memory_space<vmem>>)
        %mul3A_232 = arith.constant 128 : i32
        %mul3A_233 = arith.muli %sub3A_141, %mul3A_232 : i32
        %add3A_234 = arith.addi %mul3A_2, %mul3A_233 : i32
        %dma_start3A_235 = arith.constant 2 : i32
        %dma_start3A_236 = arith.constant 0 : i32
        %dma_start3A_237 = arith.constant 0 : i32
        %dma_start3A_238 = tpu.memref_slice %arg6[%dma_start3A_235, %dma_start3A_236, %dma_start3A_237] : memref<4x128x128xf32, #tpu.memory_space<vmem>> -> memref<1x128x128xf32, #tpu.memory_space<vmem>>
        %dma_start3A_239 = tpu.memref_squeeze %dma_start3A_238 : memref<1x128x128xf32, #tpu.memory_space<vmem>> -> memref<128x128xf32, #tpu.memory_space<vmem>>
        %dma_start3A_240 = arith.constant 0 : i32
        %dma_start3A_241 = tpu.memref_slice %arg4[%add3A_234, %dma_start3A_240] : memref<819200x128xf32, #tpu.memory_space<hbm>> -> memref<128x128xf32, #tpu.memory_space<hbm>>
        %dma_start3A_242 = arith.constant 0 : i32
        %dma_start3A_243 = tpu.memref_slice %arg4[%add3A_234, %dma_start3A_242] : memref<819200x128xf32, #tpu.memory_space<hbm>> -> memref<128x128xf32, #tpu.memory_space<hbm>>
        %dma_start3A_244 = arith.constant 0 : i32
        %dma_start3A_245 = arith.constant 0 : i32
        %dma_start3A_246 = tpu.memref_slice %arg6[%dma_start3A_235, %dma_start3A_244, %dma_start3A_245] : memref<4x128x128xf32, #tpu.memory_space<vmem>> -> memref<1x128x128xf32, #tpu.memory_space<vmem>>
        %dma_start3A_247 = tpu.memref_squeeze %dma_start3A_246 : memref<1x128x128xf32, #tpu.memory_space<vmem>> -> memref<128x128xf32, #tpu.memory_space<vmem>>
        tpu.enqueue_dma source(%dma_start3A_247 : memref<128x128xf32, #tpu.memory_space<vmem>>) target(%dma_start3A_243 : memref<128x128xf32, #tpu.memory_space<hbm>>) target_semaphore(%arg13 : memref<!tpu.dma_semaphore, #tpu.memory_space<semaphore_mem>>)
      } else {
      }
      %add3A_146 = arith.constant 1 : i32
      %add3A_147 = arith.addi %mul3A_125, %add3A_146 : i32
      %gt3A_148 = arith.constant 0 : i32
      %gt3A_149 = arith.cmpi sgt, %add3A_123, %gt3A_148 : i32
      %convert_element_type3A_150 = arith.extui %gt3A_149 : i1 to i32
      %cond3A_151 = arith.constant 0 : i32
      %cond3A_152 = arith.cmpi ne, %convert_element_type3A_150, %cond3A_151 : i32
      scf.if %cond3A_152 {
        %sub3A_221 = arith.constant 4 : i32
        %sub3A_222 = arith.subi %add3A_147, %sub3A_221 : i32
        %mul3A_223 = arith.constant 128 : i32
        %mul3A_224 = arith.muli %sub3A_222, %mul3A_223 : i32
        %add3A_225 = arith.addi %mul3A_2, %mul3A_224 : i32
        %dma_wait3A_226 = arith.constant 1 : i32
        %dma_wait3A_227 = arith.constant 0 : i32
        %dma_wait3A_228 = arith.constant 0 : i32
        %dma_wait3A_229 = tpu.memref_slice %arg6[%dma_wait3A_226, %dma_wait3A_227, %dma_wait3A_228] : memref<4x128x128xf32, #tpu.memory_space<vmem>> -> memref<1x128x128xf32, #tpu.memory_space<vmem>>
        %dma_wait3A_230 = tpu.memref_squeeze %dma_wait3A_229 : memref<1x128x128xf32, #tpu.memory_space<vmem>> -> memref<128x128xf32, #tpu.memory_space<vmem>>
        %dma_wait3A_231 = arith.constant 0 : i32
        %dma_wait3A_232 = tpu.memref_slice %arg4[%add3A_225, %dma_wait3A_231] : memref<819200x128xf32, #tpu.memory_space<hbm>> -> memref<128x128xf32, #tpu.memory_space<hbm>>
        %dma_wait3A_233 = arith.constant 0 : i32
        %dma_wait3A_234 = tpu.memref_slice %arg4[%add3A_225, %dma_wait3A_233] : memref<819200x128xf32, #tpu.memory_space<hbm>> -> memref<128x128xf32, #tpu.memory_space<hbm>>
        %dma_wait3A_235 = arith.constant 0 : i32
        %dma_wait3A_236 = arith.constant 0 : i32
        %dma_wait3A_237 = tpu.memref_slice %arg6[%dma_wait3A_226, %dma_wait3A_235, %dma_wait3A_236] : memref<4x128x128xf32, #tpu.memory_space<vmem>> -> memref<1x128x128xf32, #tpu.memory_space<vmem>>
        %dma_wait3A_238 = tpu.memref_squeeze %dma_wait3A_237 : memref<1x128x128xf32, #tpu.memory_space<vmem>> -> memref<128x128xf32, #tpu.memory_space<vmem>>
        tpu.wait_dma2 semaphore(%arg12 : memref<!tpu.dma_semaphore, #tpu.memory_space<semaphore_mem>>) src(%dma_wait3A_238 : memref<128x128xf32, #tpu.memory_space<vmem>>) dst(%dma_wait3A_234 : memref<128x128xf32, #tpu.memory_space<hbm>>)
      } else {
      }
      %dma_start3A_153 = arith.constant 1 : i32
      %dma_start3A_154 = arith.constant 0 : i32
      %dma_start3A_155 = arith.constant 0 : i32
      %dma_start3A_156 = tpu.memref_slice %arg6[%dma_start3A_153, %dma_start3A_154, %dma_start3A_155] : memref<4x128x128xf32, #tpu.memory_space<vmem>> -> memref<1x128x128xf32, #tpu.memory_space<vmem>>
      %dma_start3A_157 = tpu.memref_squeeze %dma_start3A_156 : memref<1x128x128xf32, #tpu.memory_space<vmem>> -> memref<128x128xf32, #tpu.memory_space<vmem>>
      %dma_start3A_158 = arith.constant 0 : i32
      %dma_start3A_159 = tpu.memref_slice %arg5[%add3A_147, %dma_start3A_158] : memref<200x128xi32, #tpu.memory_space<vmem>> -> memref<1x128xi32, #tpu.memory_space<vmem>>
      %dma_start3A_160 = tpu.memref_squeeze %dma_start3A_159 : memref<1x128xi32, #tpu.memory_space<vmem>> -> memref<128xi32, #tpu.memory_space<vmem>>
      %dma_start3A_161 = arith.constant 0 : i32
      %dma_start3A_162 = arith.constant 0 : i32
      %dma_start3A_163 = tpu.memref_slice %arg2[%dma_start3A_161, %dma_start3A_162] : memref<100000x128xf32, #tpu.memory_space<hbm>> -> memref<100000x128xf32, #tpu.memory_space<hbm>>
      tpu.enqueue_indirect_dma source(%dma_start3A_163 : memref<100000x128xf32, #tpu.memory_space<hbm>>) target(%dma_start3A_157 : memref<128x128xf32, #tpu.memory_space<vmem>>) offsets(%dma_start3A_160 : memref<128xi32, #tpu.memory_space<vmem>>) semaphore(%arg8 : memref<!tpu.dma_semaphore, #tpu.memory_space<semaphore_mem>>)
      %sub3A_164 = arith.constant 2 : i32
      %sub3A_165 = arith.subi %add3A_147, %sub3A_164 : i32
      %ge3A_166 = arith.constant 0 : i32
      %ge3A_167 = arith.cmpi sge, %sub3A_165, %ge3A_166 : i32
      %convert_element_type3A_168 = arith.extui %ge3A_167 : i1 to i32
      %cond3A_169 = arith.constant 0 : i32
      %cond3A_170 = arith.cmpi ne, %convert_element_type3A_168, %cond3A_169 : i32
      scf.if %cond3A_170 {
        %dma_wait3A_221 = arith.constant 3 : i32
        %dma_wait3A_222 = arith.constant 0 : i32
        %dma_wait3A_223 = arith.constant 0 : i32
        %dma_wait3A_224 = tpu.memref_slice %arg6[%dma_wait3A_221, %dma_wait3A_222, %dma_wait3A_223] : memref<4x128x128xf32, #tpu.memory_space<vmem>> -> memref<1x128x128xf32, #tpu.memory_space<vmem>>
        %dma_wait3A_225 = tpu.memref_squeeze %dma_wait3A_224 : memref<1x128x128xf32, #tpu.memory_space<vmem>> -> memref<128x128xf32, #tpu.memory_space<vmem>>
        %dma_wait3A_226 = arith.constant 0 : i32
        %dma_wait3A_227 = tpu.memref_slice %arg5[%sub3A_165, %dma_wait3A_226] : memref<200x128xi32, #tpu.memory_space<vmem>> -> memref<1x128xi32, #tpu.memory_space<vmem>>
        %dma_wait3A_228 = tpu.memref_squeeze %dma_wait3A_227 : memref<1x128xi32, #tpu.memory_space<vmem>> -> memref<128xi32, #tpu.memory_space<vmem>>
        %dma_wait3A_229 = arith.constant 0 : i32
        %dma_wait3A_230 = arith.constant 0 : i32
        %dma_wait3A_231 = tpu.memref_slice %arg2[%dma_wait3A_229, %dma_wait3A_230] : memref<100000x128xf32, #tpu.memory_space<hbm>> -> memref<100000x128xf32, #tpu.memory_space<hbm>>
        tpu.wait_indirect_dma semaphore(%arg10 : memref<!tpu.dma_semaphore, #tpu.memory_space<semaphore_mem>>) src(%dma_wait3A_231 : memref<100000x128xf32, #tpu.memory_space<hbm>>) dst(%dma_wait3A_225 : memref<128x128xf32, #tpu.memory_space<vmem>>)
        %mul3A_232 = arith.constant 128 : i32
        %mul3A_233 = arith.muli %sub3A_165, %mul3A_232 : i32
        %add3A_234 = arith.addi %mul3A_2, %mul3A_233 : i32
        %dma_start3A_235 = arith.constant 3 : i32
        %dma_start3A_236 = arith.constant 0 : i32
        %dma_start3A_237 = arith.constant 0 : i32
        %dma_start3A_238 = tpu.memref_slice %arg6[%dma_start3A_235, %dma_start3A_236, %dma_start3A_237] : memref<4x128x128xf32, #tpu.memory_space<vmem>> -> memref<1x128x128xf32, #tpu.memory_space<vmem>>
        %dma_start3A_239 = tpu.memref_squeeze %dma_start3A_238 : memref<1x128x128xf32, #tpu.memory_space<vmem>> -> memref<128x128xf32, #tpu.memory_space<vmem>>
        %dma_start3A_240 = arith.constant 0 : i32
        %dma_start3A_241 = tpu.memref_slice %arg4[%add3A_234, %dma_start3A_240] : memref<819200x128xf32, #tpu.memory_space<hbm>> -> memref<128x128xf32, #tpu.memory_space<hbm>>
        %dma_start3A_242 = arith.constant 0 : i32
        %dma_start3A_243 = tpu.memref_slice %arg4[%add3A_234, %dma_start3A_242] : memref<819200x128xf32, #tpu.memory_space<hbm>> -> memref<128x128xf32, #tpu.memory_space<hbm>>
        %dma_start3A_244 = arith.constant 0 : i32
        %dma_start3A_245 = arith.constant 0 : i32
        %dma_start3A_246 = tpu.memref_slice %arg6[%dma_start3A_235, %dma_start3A_244, %dma_start3A_245] : memref<4x128x128xf32, #tpu.memory_space<vmem>> -> memref<1x128x128xf32, #tpu.memory_space<vmem>>
        %dma_start3A_247 = tpu.memref_squeeze %dma_start3A_246 : memref<1x128x128xf32, #tpu.memory_space<vmem>> -> memref<128x128xf32, #tpu.memory_space<vmem>>
        tpu.enqueue_dma source(%dma_start3A_247 : memref<128x128xf32, #tpu.memory_space<vmem>>) target(%dma_start3A_243 : memref<128x128xf32, #tpu.memory_space<hbm>>) target_semaphore(%arg14 : memref<!tpu.dma_semaphore, #tpu.memory_space<semaphore_mem>>)
      } else {
      }
      %add3A_171 = arith.constant 2 : i32
      %add3A_172 = arith.addi %mul3A_125, %add3A_171 : i32
      %gt3A_173 = arith.constant 0 : i32
      %gt3A_174 = arith.cmpi sgt, %add3A_123, %gt3A_173 : i32
      %convert_element_type3A_175 = arith.extui %gt3A_174 : i1 to i32
      %cond3A_176 = arith.constant 0 : i32
      %cond3A_177 = arith.cmpi ne, %convert_element_type3A_175, %cond3A_176 : i32
      scf.if %cond3A_177 {
        %sub3A_221 = arith.constant 4 : i32
        %sub3A_222 = arith.subi %add3A_172, %sub3A_221 : i32
        %mul3A_223 = arith.constant 128 : i32
        %mul3A_224 = arith.muli %sub3A_222, %mul3A_223 : i32
        %add3A_225 = arith.addi %mul3A_2, %mul3A_224 : i32
        %dma_wait3A_226 = arith.constant 2 : i32
        %dma_wait3A_227 = arith.constant 0 : i32
        %dma_wait3A_228 = arith.constant 0 : i32
        %dma_wait3A_229 = tpu.memref_slice %arg6[%dma_wait3A_226, %dma_wait3A_227, %dma_wait3A_228] : memref<4x128x128xf32, #tpu.memory_space<vmem>> -> memref<1x128x128xf32, #tpu.memory_space<vmem>>
        %dma_wait3A_230 = tpu.memref_squeeze %dma_wait3A_229 : memref<1x128x128xf32, #tpu.memory_space<vmem>> -> memref<128x128xf32, #tpu.memory_space<vmem>>
        %dma_wait3A_231 = arith.constant 0 : i32
        %dma_wait3A_232 = tpu.memref_slice %arg4[%add3A_225, %dma_wait3A_231] : memref<819200x128xf32, #tpu.memory_space<hbm>> -> memref<128x128xf32, #tpu.memory_space<hbm>>
        %dma_wait3A_233 = arith.constant 0 : i32
        %dma_wait3A_234 = tpu.memref_slice %arg4[%add3A_225, %dma_wait3A_233] : memref<819200x128xf32, #tpu.memory_space<hbm>> -> memref<128x128xf32, #tpu.memory_space<hbm>>
        %dma_wait3A_235 = arith.constant 0 : i32
        %dma_wait3A_236 = arith.constant 0 : i32
        %dma_wait3A_237 = tpu.memref_slice %arg6[%dma_wait3A_226, %dma_wait3A_235, %dma_wait3A_236] : memref<4x128x128xf32, #tpu.memory_space<vmem>> -> memref<1x128x128xf32, #tpu.memory_space<vmem>>
        %dma_wait3A_238 = tpu.memref_squeeze %dma_wait3A_237 : memref<1x128x128xf32, #tpu.memory_space<vmem>> -> memref<128x128xf32, #tpu.memory_space<vmem>>
        tpu.wait_dma2 semaphore(%arg13 : memref<!tpu.dma_semaphore, #tpu.memory_space<semaphore_mem>>) src(%dma_wait3A_238 : memref<128x128xf32, #tpu.memory_space<vmem>>) dst(%dma_wait3A_234 : memref<128x128xf32, #tpu.memory_space<hbm>>)
      } else {
      }
      %dma_start3A_178 = arith.constant 2 : i32
      %dma_start3A_179 = arith.constant 0 : i32
      %dma_start3A_180 = arith.constant 0 : i32
      %dma_start3A_181 = tpu.memref_slice %arg6[%dma_start3A_178, %dma_start3A_179, %dma_start3A_180] : memref<4x128x128xf32, #tpu.memory_space<vmem>> -> memref<1x128x128xf32, #tpu.memory_space<vmem>>
      %dma_start3A_182 = tpu.memref_squeeze %dma_start3A_181 : memref<1x128x128xf32, #tpu.memory_space<vmem>> -> memref<128x128xf32, #tpu.memory_space<vmem>>
      %dma_start3A_183 = arith.constant 0 : i32
      %dma_start3A_184 = tpu.memref_slice %arg5[%add3A_172, %dma_start3A_183] : memref<200x128xi32, #tpu.memory_space<vmem>> -> memref<1x128xi32, #tpu.memory_space<vmem>>
      %dma_start3A_185 = tpu.memref_squeeze %dma_start3A_184 : memref<1x128xi32, #tpu.memory_space<vmem>> -> memref<128xi32, #tpu.memory_space<vmem>>
      %dma_start3A_186 = arith.constant 0 : i32
      %dma_start3A_187 = arith.constant 0 : i32
      %dma_start3A_188 = tpu.memref_slice %arg2[%dma_start3A_186, %dma_start3A_187] : memref<100000x128xf32, #tpu.memory_space<hbm>> -> memref<100000x128xf32, #tpu.memory_space<hbm>>
      tpu.enqueue_indirect_dma source(%dma_start3A_188 : memref<100000x128xf32, #tpu.memory_space<hbm>>) target(%dma_start3A_182 : memref<128x128xf32, #tpu.memory_space<vmem>>) offsets(%dma_start3A_185 : memref<128xi32, #tpu.memory_space<vmem>>) semaphore(%arg9 : memref<!tpu.dma_semaphore, #tpu.memory_space<semaphore_mem>>)
      %sub3A_189 = arith.constant 2 : i32
      %sub3A_190 = arith.subi %add3A_172, %sub3A_189 : i32
      %ge3A_191 = arith.constant 0 : i32
      %ge3A_192 = arith.cmpi sge, %sub3A_190, %ge3A_191 : i32
      %convert_element_type3A_193 = arith.extui %ge3A_192 : i1 to i32
      %cond3A_194 = arith.constant 0 : i32
      %cond3A_195 = arith.cmpi ne, %convert_element_type3A_193, %cond3A_194 : i32
      scf.if %cond3A_195 {
        %dma_wait3A_221 = arith.constant 0 : i32
        %dma_wait3A_222 = arith.constant 0 : i32
        %dma_wait3A_223 = arith.constant 0 : i32
        %dma_wait3A_224 = tpu.memref_slice %arg6[%dma_wait3A_221, %dma_wait3A_222, %dma_wait3A_223] : memref<4x128x128xf32, #tpu.memory_space<vmem>> -> memref<1x128x128xf32, #tpu.memory_space<vmem>>
        %dma_wait3A_225 = tpu.memref_squeeze %dma_wait3A_224 : memref<1x128x128xf32, #tpu.memory_space<vmem>> -> memref<128x128xf32, #tpu.memory_space<vmem>>
        %dma_wait3A_226 = arith.constant 0 : i32
        %dma_wait3A_227 = tpu.memref_slice %arg5[%sub3A_190, %dma_wait3A_226] : memref<200x128xi32, #tpu.memory_space<vmem>> -> memref<1x128xi32, #tpu.memory_space<vmem>>
        %dma_wait3A_228 = tpu.memref_squeeze %dma_wait3A_227 : memref<1x128xi32, #tpu.memory_space<vmem>> -> memref<128xi32, #tpu.memory_space<vmem>>
        %dma_wait3A_229 = arith.constant 0 : i32
        %dma_wait3A_230 = arith.constant 0 : i32
        %dma_wait3A_231 = tpu.memref_slice %arg2[%dma_wait3A_229, %dma_wait3A_230] : memref<100000x128xf32, #tpu.memory_space<hbm>> -> memref<100000x128xf32, #tpu.memory_space<hbm>>
        tpu.wait_indirect_dma semaphore(%arg7 : memref<!tpu.dma_semaphore, #tpu.memory_space<semaphore_mem>>) src(%dma_wait3A_231 : memref<100000x128xf32, #tpu.memory_space<hbm>>) dst(%dma_wait3A_225 : memref<128x128xf32, #tpu.memory_space<vmem>>)
        %mul3A_232 = arith.constant 128 : i32
        %mul3A_233 = arith.muli %sub3A_190, %mul3A_232 : i32
        %add3A_234 = arith.addi %mul3A_2, %mul3A_233 : i32
        %dma_start3A_235 = arith.constant 0 : i32
        %dma_start3A_236 = arith.constant 0 : i32
        %dma_start3A_237 = arith.constant 0 : i32
        %dma_start3A_238 = tpu.memref_slice %arg6[%dma_start3A_235, %dma_start3A_236, %dma_start3A_237] : memref<4x128x128xf32, #tpu.memory_space<vmem>> -> memref<1x128x128xf32, #tpu.memory_space<vmem>>
        %dma_start3A_239 = tpu.memref_squeeze %dma_start3A_238 : memref<1x128x128xf32, #tpu.memory_space<vmem>> -> memref<128x128xf32, #tpu.memory_space<vmem>>
        %dma_start3A_240 = arith.constant 0 : i32
        %dma_start3A_241 = tpu.memref_slice %arg4[%add3A_234, %dma_start3A_240] : memref<819200x128xf32, #tpu.memory_space<hbm>> -> memref<128x128xf32, #tpu.memory_space<hbm>>
        %dma_start3A_242 = arith.constant 0 : i32
        %dma_start3A_243 = tpu.memref_slice %arg4[%add3A_234, %dma_start3A_242] : memref<819200x128xf32, #tpu.memory_space<hbm>> -> memref<128x128xf32, #tpu.memory_space<hbm>>
        %dma_start3A_244 = arith.constant 0 : i32
        %dma_start3A_245 = arith.constant 0 : i32
        %dma_start3A_246 = tpu.memref_slice %arg6[%dma_start3A_235, %dma_start3A_244, %dma_start3A_245] : memref<4x128x128xf32, #tpu.memory_space<vmem>> -> memref<1x128x128xf32, #tpu.memory_space<vmem>>
        %dma_start3A_247 = tpu.memref_squeeze %dma_start3A_246 : memref<1x128x128xf32, #tpu.memory_space<vmem>> -> memref<128x128xf32, #tpu.memory_space<vmem>>
        tpu.enqueue_dma source(%dma_start3A_247 : memref<128x128xf32, #tpu.memory_space<vmem>>) target(%dma_start3A_243 : memref<128x128xf32, #tpu.memory_space<hbm>>) target_semaphore(%arg11 : memref<!tpu.dma_semaphore, #tpu.memory_space<semaphore_mem>>)
      } else {
      }
      %add3A_196 = arith.constant 3 : i32
      %add3A_197 = arith.addi %mul3A_125, %add3A_196 : i32
      %gt3A_198 = arith.constant 0 : i32
      %gt3A_199 = arith.cmpi sgt, %add3A_123, %gt3A_198 : i32
      %convert_element_type3A_200 = arith.extui %gt3A_199 : i1 to i32
      %cond3A_201 = arith.constant 0 : i32
      %cond3A_202 = arith.cmpi ne, %convert_element_type3A_200, %cond3A_201 : i32
      scf.if %cond3A_202 {
        %sub3A_221 = arith.constant 4 : i32
        %sub3A_222 = arith.subi %add3A_197, %sub3A_221 : i32
        %mul3A_223 = arith.constant 128 : i32
        %mul3A_224 = arith.muli %sub3A_222, %mul3A_223 : i32
        %add3A_225 = arith.addi %mul3A_2, %mul3A_224 : i32
        %dma_wait3A_226 = arith.constant 3 : i32
        %dma_wait3A_227 = arith.constant 0 : i32
        %dma_wait3A_228 = arith.constant 0 : i32
        %dma_wait3A_229 = tpu.memref_slice %arg6[%dma_wait3A_226, %dma_wait3A_227, %dma_wait3A_228] : memref<4x128x128xf32, #tpu.memory_space<vmem>> -> memref<1x128x128xf32, #tpu.memory_space<vmem>>
        %dma_wait3A_230 = tpu.memref_squeeze %dma_wait3A_229 : memref<1x128x128xf32, #tpu.memory_space<vmem>> -> memref<128x128xf32, #tpu.memory_space<vmem>>
        %dma_wait3A_231 = arith.constant 0 : i32
        %dma_wait3A_232 = tpu.memref_slice %arg4[%add3A_225, %dma_wait3A_231] : memref<819200x128xf32, #tpu.memory_space<hbm>> -> memref<128x128xf32, #tpu.memory_space<hbm>>
        %dma_wait3A_233 = arith.constant 0 : i32
        %dma_wait3A_234 = tpu.memref_slice %arg4[%add3A_225, %dma_wait3A_233] : memref<819200x128xf32, #tpu.memory_space<hbm>> -> memref<128x128xf32, #tpu.memory_space<hbm>>
        %dma_wait3A_235 = arith.constant 0 : i32
        %dma_wait3A_236 = arith.constant 0 : i32
        %dma_wait3A_237 = tpu.memref_slice %arg6[%dma_wait3A_226, %dma_wait3A_235, %dma_wait3A_236] : memref<4x128x128xf32, #tpu.memory_space<vmem>> -> memref<1x128x128xf32, #tpu.memory_space<vmem>>
        %dma_wait3A_238 = tpu.memref_squeeze %dma_wait3A_237 : memref<1x128x128xf32, #tpu.memory_space<vmem>> -> memref<128x128xf32, #tpu.memory_space<vmem>>
        tpu.wait_dma2 semaphore(%arg14 : memref<!tpu.dma_semaphore, #tpu.memory_space<semaphore_mem>>) src(%dma_wait3A_238 : memref<128x128xf32, #tpu.memory_space<vmem>>) dst(%dma_wait3A_234 : memref<128x128xf32, #tpu.memory_space<hbm>>)
      } else {
      }
      %dma_start3A_203 = arith.constant 3 : i32
      %dma_start3A_204 = arith.constant 0 : i32
      %dma_start3A_205 = arith.constant 0 : i32
      %dma_start3A_206 = tpu.memref_slice %arg6[%dma_start3A_203, %dma_start3A_204, %dma_start3A_205] : memref<4x128x128xf32, #tpu.memory_space<vmem>> -> memref<1x128x128xf32, #tpu.memory_space<vmem>>
      %dma_start3A_207 = tpu.memref_squeeze %dma_start3A_206 : memref<1x128x128xf32, #tpu.memory_space<vmem>> -> memref<128x128xf32, #tpu.memory_space<vmem>>
      %dma_start3A_208 = arith.constant 0 : i32
      %dma_start3A_209 = tpu.memref_slice %arg5[%add3A_197, %dma_start3A_208] : memref<200x128xi32, #tpu.memory_space<vmem>> -> memref<1x128xi32, #tpu.memory_space<vmem>>
      %dma_start3A_210 = tpu.memref_squeeze %dma_start3A_209 : memref<1x128xi32, #tpu.memory_space<vmem>> -> memref<128xi32, #tpu.memory_space<vmem>>
      %dma_start3A_211 = arith.constant 0 : i32
      %dma_start3A_212 = arith.constant 0 : i32
      %dma_start3A_213 = tpu.memref_slice %arg2[%dma_start3A_211, %dma_start3A_212] : memref<100000x128xf32, #tpu.memory_space<hbm>> -> memref<100000x128xf32, #tpu.memory_space<hbm>>
      tpu.enqueue_indirect_dma source(%dma_start3A_213 : memref<100000x128xf32, #tpu.memory_space<hbm>>) target(%dma_start3A_207 : memref<128x128xf32, #tpu.memory_space<vmem>>) offsets(%dma_start3A_210 : memref<128xi32, #tpu.memory_space<vmem>>) semaphore(%arg10 : memref<!tpu.dma_semaphore, #tpu.memory_space<semaphore_mem>>)
      %sub3A_214 = arith.constant 2 : i32
      %sub3A_215 = arith.subi %add3A_197, %sub3A_214 : i32
      %ge3A_216 = arith.constant 0 : i32
      %ge3A_217 = arith.cmpi sge, %sub3A_215, %ge3A_216 : i32
      %convert_element_type3A_218 = arith.extui %ge3A_217 : i1 to i32
      %cond3A_219 = arith.constant 0 : i32
      %cond3A_220 = arith.cmpi ne, %convert_element_type3A_218, %cond3A_219 : i32
      scf.if %cond3A_220 {
        %dma_wait3A_221 = arith.constant 1 : i32
        %dma_wait3A_222 = arith.constant 0 : i32
        %dma_wait3A_223 = arith.constant 0 : i32
        %dma_wait3A_224 = tpu.memref_slice %arg6[%dma_wait3A_221, %dma_wait3A_222, %dma_wait3A_223] : memref<4x128x128xf32, #tpu.memory_space<vmem>> -> memref<1x128x128xf32, #tpu.memory_space<vmem>>
        %dma_wait3A_225 = tpu.memref_squeeze %dma_wait3A_224 : memref<1x128x128xf32, #tpu.memory_space<vmem>> -> memref<128x128xf32, #tpu.memory_space<vmem>>
        %dma_wait3A_226 = arith.constant 0 : i32
        %dma_wait3A_227 = tpu.memref_slice %arg5[%sub3A_215, %dma_wait3A_226] : memref<200x128xi32, #tpu.memory_space<vmem>> -> memref<1x128xi32, #tpu.memory_space<vmem>>
        %dma_wait3A_228 = tpu.memref_squeeze %dma_wait3A_227 : memref<1x128xi32, #tpu.memory_space<vmem>> -> memref<128xi32, #tpu.memory_space<vmem>>
        %dma_wait3A_229 = arith.constant 0 : i32
        %dma_wait3A_230 = arith.constant 0 : i32
        %dma_wait3A_231 = tpu.memref_slice %arg2[%dma_wait3A_229, %dma_wait3A_230] : memref<100000x128xf32, #tpu.memory_space<hbm>> -> memref<100000x128xf32, #tpu.memory_space<hbm>>
        tpu.wait_indirect_dma semaphore(%arg8 : memref<!tpu.dma_semaphore, #tpu.memory_space<semaphore_mem>>) src(%dma_wait3A_231 : memref<100000x128xf32, #tpu.memory_space<hbm>>) dst(%dma_wait3A_225 : memref<128x128xf32, #tpu.memory_space<vmem>>)
        %mul3A_232 = arith.constant 128 : i32
        %mul3A_233 = arith.muli %sub3A_215, %mul3A_232 : i32
        %add3A_234 = arith.addi %mul3A_2, %mul3A_233 : i32
        %dma_start3A_235 = arith.constant 1 : i32
        %dma_start3A_236 = arith.constant 0 : i32
        %dma_start3A_237 = arith.constant 0 : i32
        %dma_start3A_238 = tpu.memref_slice %arg6[%dma_start3A_235, %dma_start3A_236, %dma_start3A_237] : memref<4x128x128xf32, #tpu.memory_space<vmem>> -> memref<1x128x128xf32, #tpu.memory_space<vmem>>
        %dma_start3A_239 = tpu.memref_squeeze %dma_start3A_238 : memref<1x128x128xf32, #tpu.memory_space<vmem>> -> memref<128x128xf32, #tpu.memory_space<vmem>>
        %dma_start3A_240 = arith.constant 0 : i32
        %dma_start3A_241 = tpu.memref_slice %arg4[%add3A_234, %dma_start3A_240] : memref<819200x128xf32, #tpu.memory_space<hbm>> -> memref<128x128xf32, #tpu.memory_space<hbm>>
        %dma_start3A_242 = arith.constant 0 : i32
        %dma_start3A_243 = tpu.memref_slice %arg4[%add3A_234, %dma_start3A_242] : memref<819200x128xf32, #tpu.memory_space<hbm>> -> memref<128x128xf32, #tpu.memory_space<hbm>>
        %dma_start3A_244 = arith.constant 0 : i32
        %dma_start3A_245 = arith.constant 0 : i32
        %dma_start3A_246 = tpu.memref_slice %arg6[%dma_start3A_235, %dma_start3A_244, %dma_start3A_245] : memref<4x128x128xf32, #tpu.memory_space<vmem>> -> memref<1x128x128xf32, #tpu.memory_space<vmem>>
        %dma_start3A_247 = tpu.memref_squeeze %dma_start3A_246 : memref<1x128x128xf32, #tpu.memory_space<vmem>> -> memref<128x128xf32, #tpu.memory_space<vmem>>
        tpu.enqueue_dma source(%dma_start3A_247 : memref<128x128xf32, #tpu.memory_space<vmem>>) target(%dma_start3A_243 : memref<128x128xf32, #tpu.memory_space<hbm>>) target_semaphore(%arg12 : memref<!tpu.dma_semaphore, #tpu.memory_space<semaphore_mem>>)
      } else {
      }
    }
    %scan3A_6 = arith.constant 50 : i32
    %dma_wait3A = arith.constant 198 : i32
    %dma_wait3A_7 = arith.constant 2 : i32
    %dma_wait3A_8 = arith.constant 0 : i32
    %dma_wait3A_9 = arith.constant 0 : i32
    %dma_wait3A_10 = tpu.memref_slice %arg6[%dma_wait3A_7, %dma_wait3A_8, %dma_wait3A_9] : memref<4x128x128xf32, #tpu.memory_space<vmem>> -> memref<1x128x128xf32, #tpu.memory_space<vmem>>
    %dma_wait3A_11 = tpu.memref_squeeze %dma_wait3A_10 : memref<1x128x128xf32, #tpu.memory_space<vmem>> -> memref<128x128xf32, #tpu.memory_space<vmem>>
    %dma_wait3A_12 = arith.constant 0 : i32
    %dma_wait3A_13 = tpu.memref_slice %arg5[%dma_wait3A, %dma_wait3A_12] : memref<200x128xi32, #tpu.memory_space<vmem>> -> memref<1x128xi32, #tpu.memory_space<vmem>>
    %dma_wait3A_14 = tpu.memref_squeeze %dma_wait3A_13 : memref<1x128xi32, #tpu.memory_space<vmem>> -> memref<128xi32, #tpu.memory_space<vmem>>
    %dma_wait3A_15 = arith.constant 0 : i32
    %dma_wait3A_16 = arith.constant 0 : i32
    %dma_wait3A_17 = tpu.memref_slice %arg2[%dma_wait3A_15, %dma_wait3A_16] : memref<100000x128xf32, #tpu.memory_space<hbm>> -> memref<100000x128xf32, #tpu.memory_space<hbm>>
    tpu.wait_indirect_dma semaphore(%arg9 : memref<!tpu.dma_semaphore, #tpu.memory_space<semaphore_mem>>) src(%dma_wait3A_17 : memref<100000x128xf32, #tpu.memory_space<hbm>>) dst(%dma_wait3A_11 : memref<128x128xf32, #tpu.memory_space<vmem>>)
    %add3A_18 = arith.constant 25344 : i32
    %add3A_19 = arith.addi %mul3A_2, %add3A_18 : i32
    %dma_start3A = arith.constant 2 : i32
    %dma_start3A_20 = arith.constant 0 : i32
    %dma_start3A_21 = arith.constant 0 : i32
    %dma_start3A_22 = tpu.memref_slice %arg6[%dma_start3A, %dma_start3A_20, %dma_start3A_21] : memref<4x128x128xf32, #tpu.memory_space<vmem>> -> memref<1x128x128xf32, #tpu.memory_space<vmem>>
    %dma_start3A_23 = tpu.memref_squeeze %dma_start3A_22 : memref<1x128x128xf32, #tpu.memory_space<vmem>> -> memref<128x128xf32, #tpu.memory_space<vmem>>
    %dma_start3A_24 = arith.constant 0 : i32
    %dma_start3A_25 = tpu.memref_slice %arg4[%add3A_19, %dma_start3A_24] : memref<819200x128xf32, #tpu.memory_space<hbm>> -> memref<128x128xf32, #tpu.memory_space<hbm>>
    %dma_start3A_26 = arith.constant 0 : i32
    %dma_start3A_27 = tpu.memref_slice %arg4[%add3A_19, %dma_start3A_26] : memref<819200x128xf32, #tpu.memory_space<hbm>> -> memref<128x128xf32, #tpu.memory_space<hbm>>
    %dma_start3A_28 = arith.constant 0 : i32
    %dma_start3A_29 = arith.constant 0 : i32
    %dma_start3A_30 = tpu.memref_slice %arg6[%dma_start3A, %dma_start3A_28, %dma_start3A_29] : memref<4x128x128xf32, #tpu.memory_space<vmem>> -> memref<1x128x128xf32, #tpu.memory_space<vmem>>
    %dma_start3A_31 = tpu.memref_squeeze %dma_start3A_30 : memref<1x128x128xf32, #tpu.memory_space<vmem>> -> memref<128x128xf32, #tpu.memory_space<vmem>>
    tpu.enqueue_dma source(%dma_start3A_31 : memref<128x128xf32, #tpu.memory_space<vmem>>) target(%dma_start3A_27 : memref<128x128xf32, #tpu.memory_space<hbm>>) target_semaphore(%arg13 : memref<!tpu.dma_semaphore, #tpu.memory_space<semaphore_mem>>)
    %dma_wait3A_32 = arith.constant 199 : i32
    %dma_wait3A_33 = arith.constant 3 : i32
    %dma_wait3A_34 = arith.constant 0 : i32
    %dma_wait3A_35 = arith.constant 0 : i32
    %dma_wait3A_36 = tpu.memref_slice %arg6[%dma_wait3A_33, %dma_wait3A_34, %dma_wait3A_35] : memref<4x128x128xf32, #tpu.memory_space<vmem>> -> memref<1x128x128xf32, #tpu.memory_space<vmem>>
    %dma_wait3A_37 = tpu.memref_squeeze %dma_wait3A_36 : memref<1x128x128xf32, #tpu.memory_space<vmem>> -> memref<128x128xf32, #tpu.memory_space<vmem>>
    %dma_wait3A_38 = arith.constant 0 : i32
    %dma_wait3A_39 = tpu.memref_slice %arg5[%dma_wait3A_32, %dma_wait3A_38] : memref<200x128xi32, #tpu.memory_space<vmem>> -> memref<1x128xi32, #tpu.memory_space<vmem>>
    %dma_wait3A_40 = tpu.memref_squeeze %dma_wait3A_39 : memref<1x128xi32, #tpu.memory_space<vmem>> -> memref<128xi32, #tpu.memory_space<vmem>>
    %dma_wait3A_41 = arith.constant 0 : i32
    %dma_wait3A_42 = arith.constant 0 : i32
    %dma_wait3A_43 = tpu.memref_slice %arg2[%dma_wait3A_41, %dma_wait3A_42] : memref<100000x128xf32, #tpu.memory_space<hbm>> -> memref<100000x128xf32, #tpu.memory_space<hbm>>
    tpu.wait_indirect_dma semaphore(%arg10 : memref<!tpu.dma_semaphore, #tpu.memory_space<semaphore_mem>>) src(%dma_wait3A_43 : memref<100000x128xf32, #tpu.memory_space<hbm>>) dst(%dma_wait3A_37 : memref<128x128xf32, #tpu.memory_space<vmem>>)
    %add3A_44 = arith.constant 25472 : i32
    %add3A_45 = arith.addi %mul3A_2, %add3A_44 : i32
    %dma_start3A_46 = arith.constant 3 : i32
    %dma_start3A_47 = arith.constant 0 : i32
    %dma_start3A_48 = arith.constant 0 : i32
    %dma_start3A_49 = tpu.memref_slice %arg6[%dma_start3A_46, %dma_start3A_47, %dma_start3A_48] : memref<4x128x128xf32, #tpu.memory_space<vmem>> -> memref<1x128x128xf32, #tpu.memory_space<vmem>>
    %dma_start3A_50 = tpu.memref_squeeze %dma_start3A_49 : memref<1x128x128xf32, #tpu.memory_space<vmem>> -> memref<128x128xf32, #tpu.memory_space<vmem>>
    %dma_start3A_51 = arith.constant 0 : i32
    %dma_start3A_52 = tpu.memref_slice %arg4[%add3A_45, %dma_start3A_51] : memref<819200x128xf32, #tpu.memory_space<hbm>> -> memref<128x128xf32, #tpu.memory_space<hbm>>
    %dma_start3A_53 = arith.constant 0 : i32
    %dma_start3A_54 = tpu.memref_slice %arg4[%add3A_45, %dma_start3A_53] : memref<819200x128xf32, #tpu.memory_space<hbm>> -> memref<128x128xf32, #tpu.memory_space<hbm>>
    %dma_start3A_55 = arith.constant 0 : i32
    %dma_start3A_56 = arith.constant 0 : i32
    %dma_start3A_57 = tpu.memref_slice %arg6[%dma_start3A_46, %dma_start3A_55, %dma_start3A_56] : memref<4x128x128xf32, #tpu.memory_space<vmem>> -> memref<1x128x128xf32, #tpu.memory_space<vmem>>
    %dma_start3A_58 = tpu.memref_squeeze %dma_start3A_57 : memref<1x128x128xf32, #tpu.memory_space<vmem>> -> memref<128x128xf32, #tpu.memory_space<vmem>>
    tpu.enqueue_dma source(%dma_start3A_58 : memref<128x128xf32, #tpu.memory_space<vmem>>) target(%dma_start3A_54 : memref<128x128xf32, #tpu.memory_space<hbm>>) target_semaphore(%arg14 : memref<!tpu.dma_semaphore, #tpu.memory_space<semaphore_mem>>)
    %add3A_59 = arith.constant 25088 : i32
    %add3A_60 = arith.addi %mul3A_2, %add3A_59 : i32
    %dma_wait3A_61 = arith.constant 0 : i32
    %dma_wait3A_62 = arith.constant 0 : i32
    %dma_wait3A_63 = arith.constant 0 : i32
    %dma_wait3A_64 = tpu.memref_slice %arg6[%dma_wait3A_61, %dma_wait3A_62, %dma_wait3A_63] : memref<4x128x128xf32, #tpu.memory_space<vmem>> -> memref<1x128x128xf32, #tpu.memory_space<vmem>>
    %dma_wait3A_65 = tpu.memref_squeeze %dma_wait3A_64 : memref<1x128x128xf32, #tpu.memory_space<vmem>> -> memref<128x128xf32, #tpu.memory_space<vmem>>
    %dma_wait3A_66 = arith.constant 0 : i32
    %dma_wait3A_67 = tpu.memref_slice %arg4[%add3A_60, %dma_wait3A_66] : memref<819200x128xf32, #tpu.memory_space<hbm>> -> memref<128x128xf32, #tpu.memory_space<hbm>>
    %dma_wait3A_68 = arith.constant 0 : i32
    %dma_wait3A_69 = tpu.memref_slice %arg4[%add3A_60, %dma_wait3A_68] : memref<819200x128xf32, #tpu.memory_space<hbm>> -> memref<128x128xf32, #tpu.memory_space<hbm>>
    %dma_wait3A_70 = arith.constant 0 : i32
    %dma_wait3A_71 = arith.constant 0 : i32
    %dma_wait3A_72 = tpu.memref_slice %arg6[%dma_wait3A_61, %dma_wait3A_70, %dma_wait3A_71] : memref<4x128x128xf32, #tpu.memory_space<vmem>> -> memref<1x128x128xf32, #tpu.memory_space<vmem>>
    %dma_wait3A_73 = tpu.memref_squeeze %dma_wait3A_72 : memref<1x128x128xf32, #tpu.memory_space<vmem>> -> memref<128x128xf32, #tpu.memory_space<vmem>>
    tpu.wait_dma2 semaphore(%arg11 : memref<!tpu.dma_semaphore, #tpu.memory_space<semaphore_mem>>) src(%dma_wait3A_73 : memref<128x128xf32, #tpu.memory_space<vmem>>) dst(%dma_wait3A_69 : memref<128x128xf32, #tpu.memory_space<hbm>>)
    %add3A_74 = arith.constant 25216 : i32
    %add3A_75 = arith.addi %mul3A_2, %add3A_74 : i32
    %dma_wait3A_76 = arith.constant 1 : i32
    %dma_wait3A_77 = arith.constant 0 : i32
    %dma_wait3A_78 = arith.constant 0 : i32
    %dma_wait3A_79 = tpu.memref_slice %arg6[%dma_wait3A_76, %dma_wait3A_77, %dma_wait3A_78] : memref<4x128x128xf32, #tpu.memory_space<vmem>> -> memref<1x128x128xf32, #tpu.memory_space<vmem>>
    %dma_wait3A_80 = tpu.memref_squeeze %dma_wait3A_79 : memref<1x128x128xf32, #tpu.memory_space<vmem>> -> memref<128x128xf32, #tpu.memory_space<vmem>>
    %dma_wait3A_81 = arith.constant 0 : i32
    %dma_wait3A_82 = tpu.memref_slice %arg4[%add3A_75, %dma_wait3A_81] : memref<819200x128xf32, #tpu.memory_space<hbm>> -> memref<128x128xf32, #tpu.memory_space<hbm>>
    %dma_wait3A_83 = arith.constant 0 : i32
    %dma_wait3A_84 = tpu.memref_slice %arg4[%add3A_75, %dma_wait3A_83] : memref<819200x128xf32, #tpu.memory_space<hbm>> -> memref<128x128xf32, #tpu.memory_space<hbm>>
    %dma_wait3A_85 = arith.constant 0 : i32
    %dma_wait3A_86 = arith.constant 0 : i32
    %dma_wait3A_87 = tpu.memref_slice %arg6[%dma_wait3A_76, %dma_wait3A_85, %dma_wait3A_86] : memref<4x128x128xf32, #tpu.memory_space<vmem>> -> memref<1x128x128xf32, #tpu.memory_space<vmem>>
    %dma_wait3A_88 = tpu.memref_squeeze %dma_wait3A_87 : memref<1x128x128xf32, #tpu.memory_space<vmem>> -> memref<128x128xf32, #tpu.memory_space<vmem>>
    tpu.wait_dma2 semaphore(%arg12 : memref<!tpu.dma_semaphore, #tpu.memory_space<semaphore_mem>>) src(%dma_wait3A_88 : memref<128x128xf32, #tpu.memory_space<vmem>>) dst(%dma_wait3A_84 : memref<128x128xf32, #tpu.memory_space<hbm>>)
    %add3A_89 = arith.constant 25344 : i32
    %add3A_90 = arith.addi %mul3A_2, %add3A_89 : i32
    %dma_wait3A_91 = arith.constant 2 : i32
    %dma_wait3A_92 = arith.constant 0 : i32
    %dma_wait3A_93 = arith.constant 0 : i32
    %dma_wait3A_94 = tpu.memref_slice %arg6[%dma_wait3A_91, %dma_wait3A_92, %dma_wait3A_93] : memref<4x128x128xf32, #tpu.memory_space<vmem>> -> memref<1x128x128xf32, #tpu.memory_space<vmem>>
    %dma_wait3A_95 = tpu.memref_squeeze %dma_wait3A_94 : memref<1x128x128xf32, #tpu.memory_space<vmem>> -> memref<128x128xf32, #tpu.memory_space<vmem>>
    %dma_wait3A_96 = arith.constant 0 : i32
    %dma_wait3A_97 = tpu.memref_slice %arg4[%add3A_90, %dma_wait3A_96] : memref<819200x128xf32, #tpu.memory_space<hbm>> -> memref<128x128xf32, #tpu.memory_space<hbm>>
    %dma_wait3A_98 = arith.constant 0 : i32
    %dma_wait3A_99 = tpu.memref_slice %arg4[%add3A_90, %dma_wait3A_98] : memref<819200x128xf32, #tpu.memory_space<hbm>> -> memref<128x128xf32, #tpu.memory_space<hbm>>
    %dma_wait3A_100 = arith.constant 0 : i32
    %dma_wait3A_101 = arith.constant 0 : i32
    %dma_wait3A_102 = tpu.memref_slice %arg6[%dma_wait3A_91, %dma_wait3A_100, %dma_wait3A_101] : memref<4x128x128xf32, #tpu.memory_space<vmem>> -> memref<1x128x128xf32, #tpu.memory_space<vmem>>
    %dma_wait3A_103 = tpu.memref_squeeze %dma_wait3A_102 : memref<1x128x128xf32, #tpu.memory_space<vmem>> -> memref<128x128xf32, #tpu.memory_space<vmem>>
    tpu.wait_dma2 semaphore(%arg13 : memref<!tpu.dma_semaphore, #tpu.memory_space<semaphore_mem>>) src(%dma_wait3A_103 : memref<128x128xf32, #tpu.memory_space<vmem>>) dst(%dma_wait3A_99 : memref<128x128xf32, #tpu.memory_space<hbm>>)
    %add3A_104 = arith.constant 25472 : i32
    %add3A_105 = arith.addi %mul3A_2, %add3A_104 : i32
    %dma_wait3A_106 = arith.constant 3 : i32
    %dma_wait3A_107 = arith.constant 0 : i32
    %dma_wait3A_108 = arith.constant 0 : i32
    %dma_wait3A_109 = tpu.memref_slice %arg6[%dma_wait3A_106, %dma_wait3A_107, %dma_wait3A_108] : memref<4x128x128xf32, #tpu.memory_space<vmem>> -> memref<1x128x128xf32, #tpu.memory_space<vmem>>
    %dma_wait3A_110 = tpu.memref_squeeze %dma_wait3A_109 : memref<1x128x128xf32, #tpu.memory_space<vmem>> -> memref<128x128xf32, #tpu.memory_space<vmem>>
    %dma_wait3A_111 = arith.constant 0 : i32
    %dma_wait3A_112 = tpu.memref_slice %arg4[%add3A_105, %dma_wait3A_111] : memref<819200x128xf32, #tpu.memory_space<hbm>> -> memref<128x128xf32, #tpu.memory_space<hbm>>
    %dma_wait3A_113 = arith.constant 0 : i32
    %dma_wait3A_114 = tpu.memref_slice %arg4[%add3A_105, %dma_wait3A_113] : memref<819200x128xf32, #tpu.memory_space<hbm>> -> memref<128x128xf32, #tpu.memory_space<hbm>>
    %dma_wait3A_115 = arith.constant 0 : i32
    %dma_wait3A_116 = arith.constant 0 : i32
    %dma_wait3A_117 = tpu.memref_slice %arg6[%dma_wait3A_106, %dma_wait3A_115, %dma_wait3A_116] : memref<4x128x128xf32, #tpu.memory_space<vmem>> -> memref<1x128x128xf32, #tpu.memory_space<vmem>>
    %dma_wait3A_118 = tpu.memref_squeeze %dma_wait3A_117 : memref<1x128x128xf32, #tpu.memory_space<vmem>> -> memref<128x128xf32, #tpu.memory_space<vmem>>
    tpu.wait_dma2 semaphore(%arg14 : memref<!tpu.dma_semaphore, #tpu.memory_space<semaphore_mem>>) src(%dma_wait3A_118 : memref<128x128xf32, #tpu.memory_space<vmem>>) dst(%dma_wait3A_114 : memref<128x128xf32, #tpu.memory_space<hbm>>)
    return
  }
}

</mosaic_0001>

<sc_bundles>
// kernel: kernel.3.cloned.1.call-start
scs
__scs_entry_jumppad:
0x0: {  	(pc) =	sbr.rel $0x88, $3  }
0x1: {  	(tag) =	ssettag $0x0;
	lr =	simm.s32 $0x1  }
0x2: {  	[smem:$0x3F9F] =	sst lr;
	_ =	strace $0xD0000000  }
0x3: {  	_ = 	snop  }
0x4: {  	_ = 	snop  }
0x5: {  	_ = 	snop  }
0x6: {  	_ = 	snop  }
0x7: {  	_ = 	snop  }
__scs_overlays_trampoline_lowered:
0x8: {  	[smem:$0x3FAE] =	sst s0  }
0x9: {  	[smem:$0x3FAF] =	sst s1  }
0xa: {  	[smem:$0x3FB0] =	sst s2  }
0xb: {  	[smem:$0x3FB1] =	sst s3  }
0xc: {  	[smem:$0x3FB2] =	sst s4  }
0xd: {  	[smem:$0x3FB3] =	sst s5  }
0xe: {  	[smem:$0x3FB4] =	sst s6  }
0xf: {  	[smem:$0x3FB5] =	sst s7  }
0x10: {  	[smem:$0x3FB6] =	sst s8  }
0x11: {  	[smem:$0x3FB7] =	sst s9;
	s0 =	simm.s32 @!p0 $0x0  }
0x12: {  	s1 =	sld [smem:$0x3F9D];
	s0 =	simm.s32 @p0 $0x1  }
0x13: {  	[smem:$0x3FB8] =	sst s0;
	s0 =	simm.s32 @!p1 $0x0  }
0x14: {  	s2 =	sld [smem:$0x3F9C];
	s0 =	simm.s32 @p1 $0x1  }
0x15: {  	[smem:$0x3FB9] =	sst s0;
	s0 =	simm.s32 @!p2 $0x0  }
0x16: {  	s3 =	sld [smem:$0x3FDB];
	s0 =	simm.s32 @p2 $0x1  }
0x17: {  	s4 =	simm.s32 $0x1BF5;
	[smem:$0x3FBB] =	sst s0  }
0x18: {  	s0 =	sld [smem:$0x3F9E];
	_ =	swait.ge [sflag:s4], $0x0  }
0x19: {  	s7 =	sld [smem:$0x3F9F]  }
0x1a: {  	s8 =	sadd.s32 $0xFFFFE003, lr  }
0x1b: {  	s9 =	sadd.s32 $0xFFFFFEF7, lr;
	s5 =	simm.s32 $0xFFFFFFFF;
	p2 =	slt.u32 s8, $0xFFFFF086  }
0x1c: {  	p1 =	slt.u32 s9, $0xF7A;
	s5 =	simm.s32 @!p2 $0x0  }
0x1d: {  	s5 =	simm.s32 @p1 $0x1;
	p0 =	seq.s32 s7, s2  }
0x1e: {  	s7 =	smul.u32 @!p0 $0xF7A, s2;
	p2 =	seq.s32 @!p0 s5, $0x0  }
0x1f: {  	s9 =	smul.u32 $0xF7A, s1;
	s8 =	simm.s32 @!p0 $0x1BF5;
	p2 =	por !p2, p0  }
0x20: {  	[sflag:s8] =	ssyncset.s32 @!p0 $0xFFFFF086;
	s6 =	sadd.s32 @!p0 s3, s7;
	s7 =	simm.s32 @!p0 $0x108  }
0x21: {  	s3 =	sadd.s32 s3, s9;
	s6 =	sadd.s32 @!p0 $0x88, s6;
	s7 =	simm.s32 @p2 $0x1082  }
0x22: {  	[simem:s7], [sflag:s8] =	dma.local @!p0 [hbm:s6], $0xF7A  }
0x23: {  	s9 =	sor.u32 $0xD0000000, s2;
	s6 =	simm.s32 $0x108;
	_ =	swait.ge @!p0 [sflag:s8], $0x0  }
0x24: {  	s3 =	sadd.s32 $0x88, s3;
	s6 =	simm.s32 @!p1 $0x1082;
	[sflag:s4] =	ssyncset.s32 $0xFFFFF086  }
0x25: {  	[simem:s6], [sflag:s4] =	dma.local [hbm:s3], $0xF7A  }
0x26: {  	[smem:$0x3F9F] =	sst s1;
	(tag) =	ssettag s2;
	_ =	strace s9  }
0x27: {  	s1 =	sld [smem:$0x3FAF]  }
0x28: {  	s2 =	sld [smem:$0x3FB0]  }
0x29: {  	s4 =	sld [smem:$0x3FB2]  }
0x2a: {  	p0 =	seq.s32 s5, $0x0;
	s5 =	sld [smem:$0x3FB3]  }
0x2b: {  	s6 =	sld [smem:$0x3FB4]  }
0x2c: {  	s7 =	sld [smem:$0x3FB5]  }
0x2d: {  	s3 =	simm.s32 $0x108;
	s8 =	sld [smem:$0x3FB6]  }
0x2e: {  	s3 =	simm.s32 @!p0 $0x1082;
	s9 =	sld [smem:$0x3FB7]  }
0x2f: {  	lr =	sadd.s32 s0, s3;
	s0 =	sld [smem:$0x3FAE]  }
0x30: {  	s3 =	sld [smem:$0x3FB1]  }
0x31: {  	[smem:$0x3FBA] =	sst s10  }
0x32: {  	s10 =	sld [smem:$0x3FB8];
	_ =	sdelay $0x3  }
0x33: {  	p0 =	seq.s32 s10, $0x1;
	s10 =	sld [smem:$0x3FBA];
	_ =	sdelay $0x3  }
0x34: {  	[smem:$0x3FBA] =	sst s10  }
0x35: {  	s10 =	sld [smem:$0x3FB9];
	_ =	sdelay $0x3  }
0x36: {  	p1 =	seq.s32 s10, $0x1;
	s10 =	sld [smem:$0x3FBA];
	_ =	sdelay $0x3  }
0x37: {  	[smem:$0x3FBA] =	sst s10  }
0x38: {  	s10 =	sld [smem:$0x3FBB]  }
0x39: {  	_ = 	snop;
	(pc) =	sbr.ind lr, $3  }
0x3a: {  	_ = 	snop  }
0x3b: {  	_ = 	snop  }
0x3c: {  	p2 =	seq.s32 s10, $0x1;
	s10 =	sld [smem:$0x3FBA]  }
0x3d: {  	_ =	shalt  }
0x3e: {  	_ =	shalt  }
0x3f: {  	_ =	shalt  }
0x40: {  	_ =	shalt  }
0x41: {  	_ =	shalt  }
0x42: {  	_ =	shalt  }
0x43: {  	_ =	shalt  }
0x44: {  	_ =	shalt  }
0x45: {  	_ =	shalt  }
0x46: {  	_ =	shalt  }
0x47: {  	_ =	shalt  }
0x48: {  	_ =	shalt  }
0x49: {  	_ =	shalt  }
0x4a: {  	_ =	shalt  }
0x4b: {  	_ =	shalt  }
0x4c: {  	_ =	shalt  }
0x4d: {  	_ =	shalt  }
0x4e: {  	_ =	shalt  }
0x4f: {  	_ =	shalt  }
0x50: {  	_ =	shalt  }
0x51: {  	_ =	shalt  }
0x52: {  	_ =	shalt  }
0x53: {  	_ =	shalt  }
0x54: {  	_ =	shalt  }
0x55: {  	_ =	shalt  }
0x56: {  	_ =	shalt  }
0x57: {  	_ =	shalt  }
0x58: {  	_ =	shalt  }
0x59: {  	_ =	shalt  }
0x5a: {  	_ =	shalt  }
0x5b: {  	_ =	shalt  }
0x5c: {  	_ =	shalt  }
0x5d: {  	_ =	shalt  }
0x5e: {  	_ =	shalt  }
0x5f: {  	_ =	shalt  }
0x60: {  	_ =	shalt  }
0x61: {  	_ =	shalt  }
0x62: {  	_ =	shalt  }
0x63: {  	_ =	shalt  }
0x64: {  	_ =	shalt  }
0x65: {  	_ =	shalt  }
0x66: {  	_ =	shalt  }
0x67: {  	_ =	shalt  }
0x68: {  	_ =	shalt  }
0x69: {  	_ =	shalt  }
0x6a: {  	_ =	shalt  }
0x6b: {  	_ =	shalt  }
0x6c: {  	_ =	shalt  }
0x6d: {  	_ =	shalt  }
0x6e: {  	_ =	shalt  }
0x6f: {  	_ =	shalt  }
0x70: {  	_ =	shalt  }
0x71: {  	_ =	shalt  }
0x72: {  	_ =	shalt  }
0x73: {  	_ =	shalt  }
0x74: {  	_ =	shalt  }
0x75: {  	_ =	shalt  }
0x76: {  	_ =	shalt  }
0x77: {  	_ =	shalt  }
0x78: {  	_ =	shalt  }
0x79: {  	_ =	shalt  }
0x7a: {  	_ =	shalt  }
0x7b: {  	_ =	shalt  }
0x7c: {  	_ =	shalt  }
0x7d: {  	_ =	shalt  }
0x7e: {  	_ =	shalt  }
0x7f: {  	_ =	shalt  }
0x80: {  	_ =	shalt  }
0x81: {  	_ =	shalt  }
0x82: {  	_ =	shalt  }
0x83: {  	_ =	shalt  }
0x84: {  	_ =	shalt  }
0x85: {  	_ =	shalt  }
0x86: {  	_ =	shalt  }
0x87: {  	_ =	shalt  }
.Lfunc_end0:
.L_simem_size_0:
called_computation_lowered:
.L_overlay_start_0:
0x88: {  	s2 =	sld [smem:$0x3FD9]  }
0x89: {  	s3 =	sld [smem:$0x3FFE];
	_ =	sdelay $0x1  }
0x8a: {  	s1 =	srdreg.scid  }
0x8b: {  	s0 =	sand.u32 $0x1, s1  }
0x8c: {  	s17 =	sshll.u32 s0, $0xA;
	s2 =	sadd.s32 s3, s2  }
0x8d: {  	s2 =	sadd.s32 s2, s17  }
0x8e: {  	[smem:$0x3FC6] =	sst s2  }
0x8f: {  	_ = 	snop  }
0x90: {  	s2 =	sld [smem:$0x3FC8]  }
0x91: {  	s18 =	sld [smem:$0x3FD0];
	(tm) =	ssettm $0x1  }
0x92: {  	s4 =	sld [smem:$0x3FFB];
	_ =	sdelay $0x3  }
0x93: {  	_ =	strace s4  }
0x94: {  	s4 =	sld [smem:$0x3FFC];
	_ =	sdelay $0x3  }
0x95: {  	_ =	strace s4  }
0x96: {  	s4 =	sld [smem:$0x3FFD];
	_ =	sdelay $0x3  }
0x97: {  	_ =	strace s4  }
0x98: {  	_ =	strace $0x8FFFFFFF  }
0x99: {  	s19 =	sld [smem:$0x3FDB];
	_ =	sdelay $0x1  }
0x9a: {  	s5 =	simm.s32 $_scs_section_size  }
0x9b: {  	s6 =	simm.s32 $_size__tile_overlayer_lowered;
	s7 =	simm.s32 $_tile_overlayer_lowered  }
0x9c: {  	s22 =	simm.s32 $0x1BFF;
	s21 =	sshll.u32 s7, $0x1;
	s4 =	sadd.s32 s5, s19  }
0x9d: {  	s8 =	simm.s32 $0x0;
	s20 =	sshll.u32 s6, $0x1;
	s6 =	sadd.s32 s21, s4  }
0x9e: {  	[timem:s8], [sflag:s22] =	dma.local [hbm:s6], s20  }
0x9f: {  	_ =	swait.ge [sflag:s22], s20  }
0xa0: {  	s5 =	ssub.s32 $0x0, s20;
	[sflag:s22] =	ssyncset.done $0x0  }
0xa1: {  	[sflag:s22] =	ssyncadd.s32 s5;
	_ =	sdelay $0x1  }
0xa2: {  	s23 =	simm.s32 $0x1B8B  }
0xa3: {  	_ =	swait.ge [sflag:s23], $0x1  }
0xa4: {  	[sflag:s23] =	ssyncset.done $0x0  }
0xa5: {  	s25 =	simm.s32 $0x1B8E;
	s24 =	sld [smem:$0x3FFE];
	[sflag:s23] =	ssyncadd.s32 $0xFFFFFFFF  }
0xa6: {  	s26 =	simm.s32 $execute0_lowered;
	[smem:$0x3FD2] =	sst s25  }
0xa7: {  	s6 =	sshll.u32 s26, $0x1;
	_ =	strace $0x80000046;
	[dreg:$0x1] =	wrdreg $0xFFFFFFFF  }
0xa8: {  	s28 =	simm.s32 $_size_execute0_lowered;
	s4 =	sadd.s32 s4, s6;
	[dreg:$0x0] =	wrdreg $0x0  }
0xa9: {  	s6 =	sshll.u32 s28, $0x1;
	[dreg:$0x2] =	wrdreg s4  }
0xaa: {  	[dreg:$0x3] =	wrdreg s6  }
0xab: {  	[dreg:$0x4] =	wrdreg $0xC0  }
0xac: {  	_ =	task [dreg:s8], $0x5FFFF  }
0xad: {  	[dreg:$0x1] =	wrdreg $0xFFFFFFFF  }
0xae: {  	[dreg:$0x0] =	wrdreg $0x60  }
0xaf: {  	[dreg:$0x2] =	wrdreg s2  }
0xb0: {  	[dreg:$0x3] =	wrdreg s24  }
0xb1: {  	[dreg:$0x4] =	wrdreg s18  }
0xb2: {  	[dreg:$0x5] =	wrdreg $0x9  }
0xb3: {  	_ =	task.clear_ibuf [dreg:s8], $0x6FFFF;
	_ =	strace $0x90000046  }
0xb4: {  	s29 =	simm.s32 $0x9;
	_ =	strace $0x80000048  }
0xb5: {  	_ =	swait.ge [sflag:s29], $0x1  }
0xb6: {  	[sflag:s29] =	ssyncadd.s32 $0xFFFFFFFF  }
0xb7: {  	_ =	strace $0x90000048  }
0xb8: {  	_ =	sfence  }
0xb9: {  	s30 =	sld [smem:$0x0];
	_ =	sdelay $0x2  }
0xba: {  	s31 =	sshll.u32 s1, $0xD;
	s1 =	sshrl.u32 s1, $0x2  }
0xbb: {  	s3 =	sand.u32 $0x4000, s31;
	s1 =	sadd.s32 s1, s30  }
0xbc: {  	s0 =	sor.u32 s3, s0;
	s1 =	sshll.u32 s1, $0x11  }
0xbd: {  	s0 =	sor.u32 s1, s0  }
0xbe: {  	s0 =	sadd.s32 $0x8F2B, s0  }
0xbf: {  	[sflag:s0] =	ssyncadd.remote.s32 $0x1  }
0xc0: {  	_ =	sfence.sel $0xFFFF  }
0xc1: {  	[dreg:$0x0] =	wrdreg $0xFFFFFFFF;
	(pc) =	sbr.abs _section_cstart, $3  }
0xc2: {  	[dreg:$0x1] =	wrdreg $0xFFFFFFFF  }
0xc3: {  	_ =	task.clear_ibuf [dreg:s8], $0x2FFFF;
	_ =	strace $0x9FFFFFFF  }
0xc4: {  	(tm) =	ssettm $0x7FFFFFFF  }
0xc5: {  	_ =	shalt  }
tec
execute0_lowered:
.L_overlay_start_1:
0x0: {  	(tag) =	ssettag $0x1  }
0x1: {  	s1 =	rddreg [dreg:$0x0]  }
0x2: {  	s0 =	rddreg [dreg:$0x1];
	s2 =	srdreg.scid  }
0x3: {  	s13 =	stileid.u32;
	s12 =	rddreg [dreg:$0x2]  }
0x4: {  	s3 =	simm.s32 $0x0;
	s15 =	simm.s32 $0x80;
	s16 =	simm.s32 $0x6400  }
0x5: {  	s17 =	simm.s32 $0xA400;
	s19 =	simm.s32 $0xE400;
	s8 =	smul.u32 $0x640000, s13  }
0x6: {  	s20 =	simm.s32 $0x1;
	s2 =	sand.u32 $0x1, s2;
	s25 =	smul.u32 $0xC8000, s13  }
0x7: {  	s28 =	simm.s32 $0x4;
	s4 =	sshll.u32 s13, $0x1;
	s9 =	smul.u32 $0x320000, s2  }
0x8: {  	s6 =	sor.u32 s2, s4;
	s7 =	ssub.s32 $0x2, s2;
	s2 =	smul.u32 $0x64000, s2  }
0x9: {  	s29 =	simm.s32 $0x7;
	s30 =	simm.s32 $0x8;
	s4 =	smul.u32 $0x6400, s6  }
0xa: {  	s31 =	simm.s32 $0x0;
	[smem:$0x7FF] =	sst s3;
	s5 =	smul.u32 $0x320000, s6  }
0xb: {  	_ =	strace $0x80000047;
	s21 =	sshrl.u32 s7, $0x1;
	s23 =	smul.u32 $0x64000, s6  }
0xc: {  	s10 =	ssub.s32 s7, s21;
	s11 =	sadd.s32 s9, s8;
	s4 =	sshrl.u32 s4, $0x3  }
0xd: {  	s22 =	sshrl.u32 s5, $0x3;
	s9 =	sor.u32 $0x10000, s11;
	s8 =	smax.u32 s10, $0x1  }
0xe: {  	s26 =	sor.u32 $0xC000, s11;
	s11 =	sor.u32 $0x8000, s11;
	s0 =	sadd.s32 s4, s0  }
0xf: {  	s5 =	sadd.s32 s12, s22;
	s24 =	sshrl.u32 s9, $0x3;
	s13 =	sshrl.u32 s26, $0x3  }
0x10: {  	s14 =	sshrl.u32 s11, $0x3;
	s22 =	simm.s32 $0x12400;
	s26 =	simm.s32 $0x6  }
0x11: {  	s4 =	sadd.s32 $0x400, s0;
	s6 =	sadd.s32 $0x63000, s5;
	s7 =	sadd.s32 $0x63800, s5  }
0x12: {  	s0 =	sadd.s32 s23, s12;
	s10 =	sadd.s32 s24, s12;
	s11 =	sadd.s32 s13, s12  }
0x13: {  	s23 =	simm.s32 $0x2;
	s9 =	sadd.s32 $0x800, s0;
	s0 =	sadd.s32 s25, s12  }
0x14: {  	s24 =	simm.s32 $0x5;
	s12 =	sadd.s32 s14, s12;
	s0 =	sadd.s32 s2, s0  }
0x15: {  	s14 =	simm.s32 $0x9;
	s25 =	simm.s32 $0x3;
	s13 =	sadd.s32 $0x2800, s0  }
.LBB2_1:
0x16: {  	[tilespmem:s3], [sflag:$0x9] =	stream.linear.gather [hbm4b:s4+s3], $0x6400, $0x38;
	[tilespmem:$0x16400] =	vst v63  }
0x17: {  	_ =	swait.ge [sflag:s14], $0x6400  }
0x18: {  	[sflag:s14] =	ssyncset.done $0x0  }
0x19: {  	[sflag:s14] =	ssyncadd.s32 $0xFFFF9C00  }
0x1a: {  	[tilespmem:s16], [sflag:$0x1] =	stream.indirect.gather [hbm4b:s1+s15], $0x80, s3, s15, $0xb8;
	[tilespmem:$0x16400] =	vst v63  }
0x1b: {  	_ = 	snop  }
0x1c: {  	[tilespmem:s17], [sflag:$0x2] =	stream.indirect.gather [hbm4b:s1+s15], $0x80, s15, s15, $0xb8;
	[tilespmem:$0x16400] =	vst v63  }
0x1d: {  	s0 =	simm.s32 $0x100  }
0x1e: {  	[tilespmem:s19], [sflag:$0x3] =	stream.indirect.gather [hbm4b:s1+s15], $0x80, s0, s15, $0xb8;
	[tilespmem:$0x16400] =	vst v63  }
0x1f: {  	_ =	swait.ge [sflag:s20], $0x4000  }
0x20: {  	[sflag:s20] =	ssyncset.done $0x0  }
0x21: {  	[sflag:s20] =	ssyncadd.s32 $0xFFFFC000  }
0x22: {  	[hbm4b:s5+s3] =	stream.linear.scatter [tilespmem:s16], [sflag:$0x5], $0x4000, $0x38;
	[tilespmem:$0x16400] =	vst v63  }
0x23: {  	s18 =	simm.s32 $0x180  }
0x24: {  	[tilespmem:s22], [sflag:$0x4] =	stream.indirect.gather [hbm4b:s1+s15], $0x80, s18, s15, $0xb8;
	[tilespmem:$0x16400] =	vst v63  }
0x25: {  	_ =	swait.ge [sflag:s23], $0x4000  }
0x26: {  	[sflag:s23] =	ssyncset.done $0x0  }
0x27: {  	[sflag:s23] =	ssyncadd.s32 $0xFFFFC000  }
0x28: {  	[hbm4b:s9+s3] =	stream.linear.scatter [tilespmem:s17], [sflag:$0x6], $0x4000, $0x38;
	[tilespmem:$0x16400] =	vst v63  }
0x29: {  	_ =	swait.ge [sflag:s24], $0x4000  }
0x2a: {  	[sflag:s24] =	ssyncset.done $0x0  }
0x2b: {  	s21 =	simm.s32 $0x200;
	[sflag:s24] =	ssyncadd.s32 $0xFFFFC000  }
0x2c: {  	[tilespmem:s16], [sflag:$0x1] =	stream.indirect.gather [hbm4b:s1+s15], $0x80, s21, s15, $0xb8;
	[tilespmem:$0x16400] =	vst v63  }
0x2d: {  	_ =	swait.ge [sflag:s25], $0x4000  }
0x2e: {  	[sflag:s25] =	ssyncset.done $0x0  }
0x2f: {  	s2 =	sadd.s32 $0x0, s12;
	[sflag:s25] =	ssyncadd.s32 $0xFFFFC000  }
0x30: {  	[hbm4b:s2+s3] =	stream.linear.scatter [tilespmem:s19], [sflag:$0x7], $0x4000, $0x38;
	[tilespmem:$0x16400] =	vst v63  }
0x31: {  	_ =	swait.ge [sflag:s26], $0x4000  }
0x32: {  	[sflag:s26] =	ssyncset.done $0x0  }
0x33: {  	s18 =	simm.s32 $0x280;
	[sflag:s26] =	ssyncadd.s32 $0xFFFFC000  }
0x34: {  	[tilespmem:s17], [sflag:$0x2] =	stream.indirect.gather [hbm4b:s1+s15], $0x80, s18, s15, $0xb8;
	[tilespmem:$0x16400] =	vst v63  }
0x35: {  	_ =	swait.ge [sflag:s28], $0x4000  }
0x36: {  	[sflag:s28] =	ssyncset.done $0x0  }
0x37: {  	s21 =	sadd.s32 $0x0, s11;
	[sflag:s28] =	ssyncadd.s32 $0xFFFFC000  }
0x38: {  	[hbm4b:s21+s3] =	stream.linear.scatter [tilespmem:s22], [sflag:$0x8], $0x4000, $0x38;
	[tilespmem:$0x16400] =	vst v63  }
0x39: {  	_ =	swait.ge [sflag:s29], $0x4000  }
0x3a: {  	[sflag:s29] =	ssyncset.done $0x0  }
0x3b: {  	s2 =	simm.s32 $0x300;
	[sflag:s29] =	ssyncadd.s32 $0xFFFFC000  }
0x3c: {  	[tilespmem:s19], [sflag:$0x3] =	stream.indirect.gather [hbm4b:s1+s15], $0x80, s2, s15, $0xb8;
	[tilespmem:$0x16400] =	vst v63  }
0x3d: {  	_ =	swait.ge [sflag:s20], $0x4000  }
0x3e: {  	[sflag:s20] =	ssyncset.done $0x0  }
0x3f: {  	s18 =	sadd.s32 $0x0, s10;
	[sflag:s20] =	ssyncadd.s32 $0xFFFFC000  }
0x40: {  	[hbm4b:s18+s3] =	stream.linear.scatter [tilespmem:s16], [sflag:$0x5], $0x4000, $0x38;
	[tilespmem:$0x16400] =	vst v63  }
0x41: {  	_ =	swait.ge [sflag:s30], $0x4000  }
0x42: {  	[sflag:s30] =	ssyncset.done $0x0  }
0x43: {  	s21 =	simm.s32 $0x380;
	[sflag:s30] =	ssyncadd.s32 $0xFFFFC000  }
0x44: {  	[tilespmem:s22], [sflag:$0x4] =	stream.indirect.gather [hbm4b:s1+s15], $0x80, s21, s15, $0xb8;
	[tilespmem:$0x16400] =	vst v63  }
0x45: {  	_ =	swait.ge [sflag:s23], $0x4000  }
0x46: {  	s0 =	simm.s32 $0x580;
	[sflag:s23] =	ssyncset.done $0x0  }
0x47: {  	s2 =	simm.s32 $0x2000;
	s18 =	sadd.s32 $0x0, s13;
	[sflag:s23] =	ssyncadd.s32 $0xFFFFC000  }
.LBB2_2:
0x48: {  	[hbm4b:s18+s3] =	stream.linear.scatter [tilespmem:s17], [sflag:$0x6], $0x4000, $0x38;
	[tilespmem:$0x16400] =	vst v63  }
0x49: {  	s18 =	smov.u32 s2  }
0x4a: {  	p0 =	sne.s32 s2, $0x60000;
	s2 =	sadd.s32 $0x2000, s2;
	_ =	swait.ge [sflag:s24], $0x4000  }
0x4b: {  	[sflag:s24] =	ssyncset.done $0x0  }
0x4c: {  	s21 =	sadd.s32 $0xFFFFFE80, s0;
	[sflag:s24] =	ssyncadd.s32 $0xFFFFC000  }
0x4d: {  	[tilespmem:s16], [sflag:$0x1] =	stream.indirect.gather [hbm4b:s1+s15], $0x80, s21, s15, $0xb8;
	[tilespmem:$0x16400] =	vst v63  }
0x4e: {  	_ =	swait.ge [sflag:s25], $0x4000  }
0x4f: {  	[sflag:s25] =	ssyncset.done $0x0  }
0x50: {  	s21 =	sadd.s32 s18, s12;
	[sflag:s25] =	ssyncadd.s32 $0xFFFFC000  }
0x51: {  	[hbm4b:s21+s3] =	stream.linear.scatter [tilespmem:s19], [sflag:$0x7], $0x4000, $0x38;
	[tilespmem:$0x16400] =	vst v63  }
0x52: {  	_ =	swait.ge [sflag:s26], $0x4000  }
0x53: {  	[sflag:s26] =	ssyncset.done $0x0  }
0x54: {  	s21 =	sadd.s32 $0xFFFFFF00, s0;
	[sflag:s26] =	ssyncadd.s32 $0xFFFFC000  }
0x55: {  	[tilespmem:s17], [sflag:$0x2] =	stream.indirect.gather [hbm4b:s1+s15], $0x80, s21, s15, $0xb8;
	[tilespmem:$0x16400] =	vst v63  }
0x56: {  	_ =	swait.ge [sflag:s28], $0x4000  }
0x57: {  	[sflag:s28] =	ssyncset.done $0x0  }
0x58: {  	s21 =	sadd.s32 s18, s11;
	[sflag:s28] =	ssyncadd.s32 $0xFFFFC000  }
0x59: {  	[hbm4b:s21+s3] =	stream.linear.scatter [tilespmem:s22], [sflag:$0x8], $0x4000, $0x38;
	[tilespmem:$0x16400] =	vst v63  }
0x5a: {  	_ =	swait.ge [sflag:s29], $0x4000  }
0x5b: {  	[sflag:s29] =	ssyncset.done $0x0  }
0x5c: {  	s21 =	sadd.s32 $0xFFFFFF80, s0;
	[sflag:s29] =	ssyncadd.s32 $0xFFFFC000  }
0x5d: {  	[tilespmem:s19], [sflag:$0x3] =	stream.indirect.gather [hbm4b:s1+s15], $0x80, s21, s15, $0xb8;
	[tilespmem:$0x16400] =	vst v63  }
0x5e: {  	_ =	swait.ge [sflag:s20], $0x4000  }
0x5f: {  	[sflag:s20] =	ssyncset.done $0x0  }
0x60: {  	s21 =	sadd.s32 s18, s10;
	[sflag:s20] =	ssyncadd.s32 $0xFFFFC000  }
0x61: {  	[hbm4b:s21+s3] =	stream.linear.scatter [tilespmem:s16], [sflag:$0x5], $0x4000, $0x38;
	[tilespmem:$0x16400] =	vst v63  }
0x62: {  	_ =	swait.ge [sflag:s30], $0x4000  }
0x63: {  	[sflag:s30] =	ssyncset.done $0x0  }
.Ltmp0:
0x64: {  	[sflag:s30] =	ssyncadd.s32 $0xFFFFC000;
	(pc) =	sbr.rel @p0 .LBB2_2-.Ltmp0, $4  }
0x65: {  	[tilespmem:s22], [sflag:$0x4] =	stream.indirect.gather [hbm4b:s1+s15], $0x80, s0, s15, $0xb8;
	[tilespmem:$0x16400] =	vst v63  }
0x66: {  	_ =	swait.ge [sflag:s23], $0x4000  }
0x67: {  	[sflag:s23] =	ssyncset.done $0x0  }
0x68: {  	s18 =	sadd.s32 s18, s13;
	s0 =	sadd.s32 $0x200, s0;
	[sflag:s23] =	ssyncadd.s32 $0xFFFFC000  }
0x69: {  	[hbm4b:s18+s3] =	stream.linear.scatter [tilespmem:s17], [sflag:$0x6], $0x4000, $0x38;
	[tilespmem:$0x16400] =	vst v63  }
0x6a: {  	_ =	swait.ge [sflag:s25], $0x4000  }
0x6b: {  	[sflag:s25] =	ssyncset.done $0x0  }
0x6c: {  	[sflag:s25] =	ssyncadd.s32 $0xFFFFC000  }
0x6d: {  	[hbm4b:s6+s3] =	stream.linear.scatter [tilespmem:s19], [sflag:$0x7], $0x4000, $0x38;
	[tilespmem:$0x16400] =	vst v63  }
0x6e: {  	_ =	swait.ge [sflag:s28], $0x4000  }
0x6f: {  	[sflag:s28] =	ssyncset.done $0x0  }
0x70: {  	[sflag:s28] =	ssyncadd.s32 $0xFFFFC000  }
0x71: {  	[hbm4b:s7+s3] =	stream.linear.scatter [tilespmem:s22], [sflag:$0x8], $0x4000, $0x38;
	[tilespmem:$0x16400] =	vst v63  }
0x72: {  	_ =	swait.ge [sflag:s24], $0x4000  }
0x73: {  	[sflag:s24] =	ssyncset.done $0x0  }
0x74: {  	[sflag:s24] =	ssyncadd.s32 $0xFFFFC000  }
0x75: {  	_ =	swait.ge [sflag:s26], $0x4000  }
0x76: {  	[sflag:s26] =	ssyncset.done $0x0  }
0x77: {  	s31 =	sadd.s32 $0x1, s31;
	[sflag:s26] =	ssyncadd.s32 $0xFFFFC000  }
0x78: {  	p0 =	sne.s32 s31, s8;
	_ =	swait.ge [sflag:s29], $0x4000  }
.Ltmp1:
0x79: {  	[sflag:s29] =	ssyncset.done $0x0;
	(pc) =	sbr.rel @p0 .LBB2_1-.Ltmp1, $4  }
0x7a: {  	[sflag:s29] =	ssyncadd.s32 $0xFFFFC000  }
0x7b: {  	_ =	swait.ge [sflag:s30], $0x4000  }
0x7c: {  	[sflag:s30] =	ssyncset.done $0x0  }
0x7d: {  	[sflag:s30] =	ssyncadd.s32 $0xFFFFC000  }
0x7e: {  	_ =	sfence.sel $0x180000  }
0x7f: {  	[bflag:$0x0] =	sbarrier.arrive $0xFFFF  }
0x80: {  	_ =	strace $0x90000047  }
0x81: {  	s0 =	stileid.u32;
	[bflag:$0x2] =	sbarrier.arrive $0xFFFF  }
0x82: {  	p0 =	sne.s32 s0, $0x0;
	s0 =	rddreg [dreg:$0x3]  }
0x83: {  	s0 =	sadd.s32 @!p0 $0x100000, s0  }
0x84: {  	[sflag:s0] =	ssyncadd.tile.s32 @!p0 $0x1;
	_ =	shalt  }
.Lfunc_end2:
_tile_overlayer_lowered:
.L_overlay_start_2:
0x85: {  	(tag) =	ssettag $0x2  }
0x86: {  	s0 =	rddreg [dreg:$0x0];
	s2 =	stileid.u32  }
0x87: {  	s1 =	rddreg [dreg:$0x1];
	p0 =	sne.s32 s2, $0x0  }
0x88: {  	s3 =	rddreg [dreg:$0x2];
	[bflag:$0x3] =	sbarrier.arrive $0xFFFF;
	s2 =	simm.s32 @!p0 $0x1C09  }
0x89: {  	[timem:s3], [sflag:s2] =	dma.local @!p0 [hbm:s0], s1  }
0x8a: {  	s0 =	simm.s32 @!p0 $0x9  }
0x8b: {  	_ =	swait.ge @!p0 [sflag:s0], s1  }
0x8c: {  	s1 =	ssub.s32 @!p0 $0x0, s1;
	[sflag:s0] =	ssyncset.done @!p0 $0x0  }
0x8d: {  	[sflag:s0] =	ssyncadd.s32 @!p0 s1  }
0x8e: {  	[bflag:$0x3] =	sbarrier.arrive $0xFFFF  }
0x8f: {  	_ =	shalt  }

</sc_bundles>
